<compile_context>
chip_gen: v7x
topology: tpu7x:2x2x1
jax: 0.10.2.dev20260603
libtpu: 0.0.44.dev20260713+nightly
codegen_flags: <defaults>
</compile_context>

<pallas_src>
import functools

import jax
import jax.numpy as jnp
from jax import lax
from jax.experimental import pallas as pl
from jax.experimental.pallas import tpu as pltpu
from jax.experimental.pallas import tpu_sc as plsc

_QP = 15
_COLS = 2048
_CHUNK_ROWS = 8
_SC_ROWS = 7168
_TC_BLOCK_ROWS = 256


def _make_sc_call(rows, sc_rows, nc, ns, L, rc, dtype):
    nw = nc * ns
    rows_per_w = sc_rows // nw
    nchunks = rows_per_w // rc
    mesh = plsc.VectorSubcoreMesh(
        core_axis_name="c", subcore_axis_name="s", num_cores=nc, num_subcores=ns
    )

    @functools.partial(
        pl.kernel,
        out_type=jax.ShapeDtypeStruct((sc_rows, _COLS), dtype),
        mesh=mesh,
        compiler_params=pltpu.CompilerParams(
            needs_layout_passes=False, use_tc_tiling_on_sc=True
        ),
        scratch_types=[
            pltpu.VMEM((L,), jnp.float32),
            pltpu.VMEM((rc, _COLS), jnp.float32),
            pltpu.VMEM((rc, _COLS), jnp.float32),
            pltpu.VMEM((rc, _COLS), jnp.float32),
            pltpu.VMEM((rc, _COLS), jnp.float32),
            pltpu.SemaphoreType.DMA,
            pltpu.SemaphoreType.DMA,
            pltpu.SemaphoreType.DMA,
            pltpu.SemaphoreType.DMA,
        ],
    )
    def run(x_hbm, s_hbm, o_hbm, stab, ib0, ib1, ob0, ob1, si0, si1, so0, so1):
        wid = lax.axis_index("s") * nc + lax.axis_index("c")
        base = wid * rows_per_w

        def permute(tbl, idx):
            return jnp.take_along_axis(tbl, idx, axis=0, mode="promise_in_bounds")

        pltpu.sync_copy(s_hbm, stab)
        sv = stab[...]
        iota = lax.broadcasted_iota(jnp.int32, (L,), 0)
        cs = sv
        for d in (1, 2, 4, 8):
            g = permute(cs, jnp.maximum(iota - d, 0))
            cs = cs + jnp.where(iota >= d, g, jnp.float32(0.0))
        lv = permute(cs, jnp.maximum(iota - 1, 0))
        ltab_v = jnp.where(iota == 0, jnp.float32(0.0), lv)
        btab_v = cs - sv * 0.5
        b7v = permute(btab_v, jnp.full((L,), 7, jnp.int32))

        def compute(ibuf, obuf):
            @plsc.parallel_loop(0, (_COLS // 128) * rc)
            def inner(i):
                t = i >> 3
                r = i & (rc - 1)
                cbase = t * 128
                for s in range(128 // L):
                    xv = ibuf[r, pl.ds(cbase + s * L, L)]
                    idx = jnp.where(b7v < xv, 8, 0)
                    for step in (4, 2, 1):
                        bv = permute(btab_v, idx + (step - 1))
                        idx = idx + jnp.where(bv < xv, step, 0)
                    obuf[r, pl.ds(cbase + s * L, L)] = permute(ltab_v, idx)

        def in_slice(c):
            return x_hbm.at[pl.ds(base + c * rc, rc), :]

        def out_slice(c):
            return o_hbm.at[pl.ds(base + c * rc, rc), :]

        npairs = nchunks // 2
        pltpu.async_copy(in_slice(0), ib0, si0)

        def pair_body(p, carry):
            c0 = 2 * p
            pltpu.async_copy(in_slice(c0 + 1), ib1, si1)
            pltpu.make_async_copy(in_slice(c0), ib0, si0).wait()

            @pl.when(p > 0)
            def _():
                pltpu.make_async_copy(ob0, out_slice(c0), so0).wait()

            compute(ib0, ob0)
            pltpu.async_copy(ob0, out_slice(c0), so0)

            @pl.when(p + 1 < npairs)
            def _():
                pltpu.async_copy(in_slice(c0 + 2), ib0, si0)

            pltpu.make_async_copy(in_slice(c0 + 1), ib1, si1).wait()

            @pl.when(p > 0)
            def _():
                pltpu.make_async_copy(ob1, out_slice(c0 + 1), so1).wait()

            compute(ib1, ob1)
            pltpu.async_copy(ob1, out_slice(c0 + 1), so1)
            return carry

        lax.fori_loop(0, npairs, pair_body, 0)
        pltpu.make_async_copy(ob0, out_slice(nchunks - 2), so0).wait()
        pltpu.make_async_copy(ob1, out_slice(nchunks - 1), so1).wait()

    return run


def _tc_body(scale_ref, x_ref, o_ref):
    x = x_ref[...]
    acc = jnp.zeros_like(x)
    c = x.dtype.type(0.0)
    for j in range(_QP):
        s = scale_ref[j]
        b = c + s * 0.5
        c = c + s
        acc = acc + jnp.where(x > b, s, jnp.zeros_like(s))
    o_ref[...] = acc


def kernel(x, scale, Qn, Qp, num_elements, box_size):
    info = plsc.get_sparse_core_info()
    NC, NS, L = info.num_cores, info.num_subcores, info.num_lanes
    n = x.size
    rows = n // _COLS
    xf = x.reshape(rows, _COLS)
    scale16 = jnp.zeros((L,), x.dtype).at[: scale.shape[0]].set(scale)

    run_sc = _make_sc_call(rows, _SC_ROWS, NC, NS, L, _CHUNK_ROWS, x.dtype)
    y_sc = run_sc(xf, scale16)

    tc_rows = rows - _SC_ROWS
    blk0 = _SC_ROWS // _TC_BLOCK_ROWS
    y_tc = pl.pallas_call(
        _tc_body,
        grid=(tc_rows // _TC_BLOCK_ROWS,),
        in_specs=[
            pl.BlockSpec(memory_space=pltpu.SMEM),
            pl.BlockSpec((_TC_BLOCK_ROWS, _COLS), lambda i: (i + blk0, 0)),
        ],
        out_specs=pl.BlockSpec((_TC_BLOCK_ROWS, _COLS), lambda i: (i, 0)),
        out_shape=jax.ShapeDtypeStruct((tc_rows, _COLS), x.dtype),
    )(scale, xf)

    return jnp.concatenate([y_sc, y_tc], axis=0).reshape(x.shape)

# --- scband reference (transcript-rebuilt; emitter-appended) ---
"""Pipeline reference for scband-positive-nu-lsq-quantizer-52029233823753 (READ-ONLY COPY).

The authoritative reference and input builder live on the scoring server;
editing this copy changes nothing except your own understanding.
"""

import jax, jax.numpy as jnp
import numpy as np


def setup_inputs(seed: int = 0) -> dict:
    key = jax.random.key(seed)
    k1, k2 = jax.random.split(key)
    x = jax.random.uniform(k1, (4, 4096, 2048), dtype=jnp.float32)
    Qp = 15
    # learnable per-level step sizes (must be strictly positive)
    scale = jax.random.uniform(k2, (Qp,), dtype=jnp.float32) * 0.1 + 0.02
    return {
        "x": x,
        "scale": scale,
        "Qn": 0,
        "Qp": Qp,
        "num_elements": int(np.prod(x.shape)),
        "box_size": 1024 * 256,
    }


def reference(x, scale, Qn, Qp, num_elements, box_size):
    # _Positive_nuLSQ_fastest_quantizer.forward
    cumsum_scale = jnp.cumsum(scale)
    # midpoints between quantization levels act as histogram bin edges
    boundaries = cumsum_scale - scale / 2.0
    idx1 = jnp.searchsorted(boundaries, x)
    levels = jnp.concatenate([jnp.zeros((1,), dtype=x.dtype), cumsum_scale])
    y = levels[idx1]
    return y

if __name__ == "__main__":
    import jax
    _d = setup_inputs()
    print(jax.jit(kernel)(*tuple(_d.values())))

</pallas_src>

<mosaic_0001>
#map = affine_map<(d0, d1) -> (0, 0)>
#map1 = affine_map<(d0, d1) -> (0)>
module attributes {stable_mosaic.version = 14 : i64} {
  func.func @run(%arg0: i32, %arg1: i32, %arg2: memref<16384x2048xf32, #tpu.memory_space<hbm>>, %arg3: memref<16xf32, #tpu.memory_space<hbm>>, %arg4: memref<7168x2048xf32, #tpu.memory_space<hbm>>, %arg5: memref<16xf32, #tpu.memory_space<vmem>>, %arg6: memref<8x2048xf32, #tpu.memory_space<vmem>>, %arg7: memref<8x2048xf32, #tpu.memory_space<vmem>>, %arg8: memref<8x2048xf32, #tpu.memory_space<vmem>>, %arg9: memref<8x2048xf32, #tpu.memory_space<vmem>>, %arg10: memref<!tpu.dma_semaphore, #tpu.memory_space<semaphore_mem>>, %arg11: memref<!tpu.dma_semaphore, #tpu.memory_space<semaphore_mem>>, %arg12: memref<!tpu.dma_semaphore, #tpu.memory_space<semaphore_mem>>, %arg13: memref<!tpu.dma_semaphore, #tpu.memory_space<semaphore_mem>>) attributes {dimension_semantics = [#tpu.dimension_semantics<core_parallel>, #tpu.dimension_semantics<subcore_parallel>], iteration_bounds = array<i64: 2, 16>, scalar_prefetch = 0 : i64, scratch_operands = 9 : i64, tpu.core_type = #tpu.core_type<sc_vector_subcore>, window_params = [{transform_indices = #map}, {transform_indices = #map1}, {transform_indices = #map}]} {
    %mul3A = arith.constant 2 : i32
    %mul3A_0 = arith.muli %arg1, %mul3A : i32
    %add3A = arith.addi %mul3A_0, %arg0 : i32
    %mul3A_1 = arith.constant 224 : i32
    %mul3A_2 = arith.muli %add3A, %mul3A_1 : i32
    "tpu.region"() ({
      %run_scoped3A = tpu.sem_alloc : memref<!tpu.dma_semaphore, #tpu.memory_space<semaphore_mem>>
      tpu.enqueue_dma source(%arg3 : memref<16xf32, #tpu.memory_space<hbm>>) target(%arg5 : memref<16xf32, #tpu.memory_space<vmem>>) target_semaphore(%run_scoped3A : memref<!tpu.dma_semaphore, #tpu.memory_space<semaphore_mem>>)
      tpu.wait_dma2 semaphore(%run_scoped3A : memref<!tpu.dma_semaphore, #tpu.memory_space<semaphore_mem>>) src(%arg3 : memref<16xf32, #tpu.memory_space<hbm>>) dst(%arg5 : memref<16xf32, #tpu.memory_space<vmem>>)
      tpu.yield
    }) : () -> ()
    %get3A = arith.constant 0 : index
    %get3A_3 = tpu.vector_load %arg5[%get3A] {strides = array<i32>} : memref<16xf32, #tpu.memory_space<vmem>>, vector<16xf32>,
    %iota3A = tpu.iota {dimensions = array<i32: 0>} : vector<16xi32>
    %sub3A = arith.constant 1 : i32
    %sub3A_4 = vector.broadcast %sub3A : i32 to vector<16xi32>
    %sub3A_5 = arith.subi %iota3A, %sub3A_4 : vector<16xi32>
    %max3A = arith.constant 0 : i32
    %max3A_6 = vector.broadcast %max3A : i32 to vector<16xi32>
    %max3A_7 = arith.maxsi %sub3A_5, %max3A_6 : vector<16xi32>
    %reshape3A = vector.shape_cast %max3A_7 : vector<16xi32> to vector<16x1xi32>
    %gather3A = vector.shape_cast %reshape3A : vector<16x1xi32> to vector<16xi32>
    %gather3A_8 = tpu.dynamic_gather %get3A_3[%gather3A] in [0] : vector<16xf32>, vector<16xi32> -> vector<16xf32>
    %ge3A = arith.constant 1 : i32
    %ge3A_9 = vector.broadcast %ge3A : i32 to vector<16xi32>
    %ge3A_10 = arith.cmpi sge, %iota3A, %ge3A_9 : vector<16xi32>
    %jit3A = arith.constant 0.000000e+00 : f32
    %broadcast_in_dim3A = vector.broadcast %jit3A : f32 to vector<16xf32>
    %select_n3A = arith.select %ge3A_10, %gather3A_8, %broadcast_in_dim3A : vector<16xi1>, vector<16xf32>
    %add3A_11 = arith.addf %get3A_3, %select_n3A : vector<16xf32>
    %sub3A_12 = arith.constant 2 : i32
    %sub3A_13 = vector.broadcast %sub3A_12 : i32 to vector<16xi32>
    %sub3A_14 = arith.subi %iota3A, %sub3A_13 : vector<16xi32>
    %max3A_15 = arith.constant 0 : i32
    %max3A_16 = vector.broadcast %max3A_15 : i32 to vector<16xi32>
    %max3A_17 = arith.maxsi %sub3A_14, %max3A_16 : vector<16xi32>
    %reshape3A_18 = vector.shape_cast %max3A_17 : vector<16xi32> to vector<16x1xi32>
    %gather3A_19 = vector.shape_cast %reshape3A_18 : vector<16x1xi32> to vector<16xi32>
    %gather3A_20 = tpu.dynamic_gather %add3A_11[%gather3A_19] in [0] : vector<16xf32>, vector<16xi32> -> vector<16xf32>
    %ge3A_21 = arith.constant 2 : i32
    %ge3A_22 = vector.broadcast %ge3A_21 : i32 to vector<16xi32>
    %ge3A_23 = arith.cmpi sge, %iota3A, %ge3A_22 : vector<16xi32>
    %jit3A_24 = arith.constant 0.000000e+00 : f32
    %broadcast_in_dim3A_25 = vector.broadcast %jit3A_24 : f32 to vector<16xf32>
    %select_n3A_26 = arith.select %ge3A_23, %gather3A_20, %broadcast_in_dim3A_25 : vector<16xi1>, vector<16xf32>
    %add3A_27 = arith.addf %add3A_11, %select_n3A_26 : vector<16xf32>
    %sub3A_28 = arith.constant 4 : i32
    %sub3A_29 = vector.broadcast %sub3A_28 : i32 to vector<16xi32>
    %sub3A_30 = arith.subi %iota3A, %sub3A_29 : vector<16xi32>
    %max3A_31 = arith.constant 0 : i32
    %max3A_32 = vector.broadcast %max3A_31 : i32 to vector<16xi32>
    %max3A_33 = arith.maxsi %sub3A_30, %max3A_32 : vector<16xi32>
    %reshape3A_34 = vector.shape_cast %max3A_33 : vector<16xi32> to vector<16x1xi32>
    %gather3A_35 = vector.shape_cast %reshape3A_34 : vector<16x1xi32> to vector<16xi32>
    %gather3A_36 = tpu.dynamic_gather %add3A_27[%gather3A_35] in [0] : vector<16xf32>, vector<16xi32> -> vector<16xf32>
    %ge3A_37 = arith.constant 4 : i32
    %ge3A_38 = vector.broadcast %ge3A_37 : i32 to vector<16xi32>
    %ge3A_39 = arith.cmpi sge, %iota3A, %ge3A_38 : vector<16xi32>
    %jit3A_40 = arith.constant 0.000000e+00 : f32
    %broadcast_in_dim3A_41 = vector.broadcast %jit3A_40 : f32 to vector<16xf32>
    %select_n3A_42 = arith.select %ge3A_39, %gather3A_36, %broadcast_in_dim3A_41 : vector<16xi1>, vector<16xf32>
    %add3A_43 = arith.addf %add3A_27, %select_n3A_42 : vector<16xf32>
    %sub3A_44 = arith.constant 8 : i32
    %sub3A_45 = vector.broadcast %sub3A_44 : i32 to vector<16xi32>
    %sub3A_46 = arith.subi %iota3A, %sub3A_45 : vector<16xi32>
    %max3A_47 = arith.constant 0 : i32
    %max3A_48 = vector.broadcast %max3A_47 : i32 to vector<16xi32>
    %max3A_49 = arith.maxsi %sub3A_46, %max3A_48 : vector<16xi32>
    %reshape3A_50 = vector.shape_cast %max3A_49 : vector<16xi32> to vector<16x1xi32>
    %gather3A_51 = vector.shape_cast %reshape3A_50 : vector<16x1xi32> to vector<16xi32>
    %gather3A_52 = tpu.dynamic_gather %add3A_43[%gather3A_51] in [0] : vector<16xf32>, vector<16xi32> -> vector<16xf32>
    %ge3A_53 = arith.constant 8 : i32
    %ge3A_54 = vector.broadcast %ge3A_53 : i32 to vector<16xi32>
    %ge3A_55 = arith.cmpi sge, %iota3A, %ge3A_54 : vector<16xi32>
    %jit3A_56 = arith.constant 0.000000e+00 : f32
    %broadcast_in_dim3A_57 = vector.broadcast %jit3A_56 : f32 to vector<16xf32>
    %select_n3A_58 = arith.select %ge3A_55, %gather3A_52, %broadcast_in_dim3A_57 : vector<16xi1>, vector<16xf32>
    %add3A_59 = arith.addf %add3A_43, %select_n3A_58 : vector<16xf32>
    %sub3A_60 = arith.constant 1 : i32
    %sub3A_61 = vector.broadcast %sub3A_60 : i32 to vector<16xi32>
    %sub3A_62 = arith.subi %iota3A, %sub3A_61 : vector<16xi32>
    %max3A_63 = arith.constant 0 : i32
    %max3A_64 = vector.broadcast %max3A_63 : i32 to vector<16xi32>
    %max3A_65 = arith.maxsi %sub3A_62, %max3A_64 : vector<16xi32>
    %reshape3A_66 = vector.shape_cast %max3A_65 : vector<16xi32> to vector<16x1xi32>
    %gather3A_67 = vector.shape_cast %reshape3A_66 : vector<16x1xi32> to vector<16xi32>
    %gather3A_68 = tpu.dynamic_gather %add3A_59[%gather3A_67] in [0] : vector<16xf32>, vector<16xi32> -> vector<16xf32>
    %eq3A = arith.constant 0 : i32
    %eq3A_69 = vector.broadcast %eq3A : i32 to vector<16xi32>
    %eq3A_70 = arith.cmpi eq, %iota3A, %eq3A_69 : vector<16xi32>
    %jit3A_71 = arith.constant 0.000000e+00 : f32
    %broadcast_in_dim3A_72 = vector.broadcast %jit3A_71 : f32 to vector<16xf32>
    %select_n3A_73 = arith.select %eq3A_70, %broadcast_in_dim3A_72, %gather3A_68 : vector<16xi1>, vector<16xf32>
    %mul3A_74 = arith.constant 5.000000e-01 : f32
    %mul3A_75 = vector.broadcast %mul3A_74 : f32 to vector<16xf32>
    %mul3A_76 = arith.mulf %get3A_3, %mul3A_75 : vector<16xf32>
    %sub3A_77 = arith.subf %add3A_59, %mul3A_76 : vector<16xf32>
    %broadcast_in_dim3A_78 = arith.constant 7 : i32
    %broadcast_in_dim3A_79 = vector.broadcast %broadcast_in_dim3A_78 : i32 to vector<16xi32>
    %reshape3A_80 = vector.shape_cast %broadcast_in_dim3A_79 : vector<16xi32> to vector<16x1xi32>
    %gather3A_81 = vector.shape_cast %reshape3A_80 : vector<16x1xi32> to vector<16xi32>
    %gather3A_82 = tpu.dynamic_gather %sub3A_77[%gather3A_81] in [0] : vector<16xf32>, vector<16xi32> -> vector<16xf32>
    %add3A_83 = arith.constant 0 : i32
    %add3A_84 = arith.addi %mul3A_2, %add3A_83 : i32
    %dma_start3A = arith.constant 0 : i32
    %dma_start3A_85 = tpu.memref_slice %arg2[%add3A_84, %dma_start3A] : memref<16384x2048xf32, #tpu.memory_space<hbm>> -> memref<8x2048xf32, #tpu.memory_space<hbm>>
    %dma_start3A_86 = arith.constant 0 : i32
    %dma_start3A_87 = tpu.memref_slice %arg2[%add3A_84, %dma_start3A_86] : memref<16384x2048xf32, #tpu.memory_space<hbm>> -> memref<8x2048xf32, #tpu.memory_space<hbm>>
    tpu.enqueue_dma source(%dma_start3A_87 : memref<8x2048xf32, #tpu.memory_space<hbm>>) target(%arg6 : memref<8x2048xf32, #tpu.memory_space<vmem>>) target_semaphore(%arg10 : memref<!tpu.dma_semaphore, #tpu.memory_space<semaphore_mem>>)
    %scan3A = arith.constant 0 : i32
    %scan3A_88 = arith.constant 0 : i32
    %scan3A_89 = arith.constant 14 : i32
    %scan3A_90 = arith.addi %scan3A_88, %scan3A_89 : i32
    %scan3A_91 = arith.constant 1 : i32
    scf.for %scan3A_104 = %scan3A_88 to %scan3A_90 step %scan3A_91  : i32 {
      %mul3A_105 = arith.constant 2 : i32
      %mul3A_106 = arith.muli %mul3A_105, %scan3A_104 : i32
      %add3A_107 = arith.constant 1 : i32
      %add3A_108 = arith.addi %mul3A_106, %add3A_107 : i32
      %mul3A_109 = arith.constant 8 : i32
      %mul3A_110 = arith.muli %add3A_108, %mul3A_109 : i32
      %add3A_111 = arith.addi %mul3A_2, %mul3A_110 : i32
      %dma_start3A_112 = arith.constant 0 : i32
      %dma_start3A_113 = tpu.memref_slice %arg2[%add3A_111, %dma_start3A_112] : memref<16384x2048xf32, #tpu.memory_space<hbm>> -> memref<8x2048xf32, #tpu.memory_space<hbm>>
      %dma_start3A_114 = arith.constant 0 : i32
      %dma_start3A_115 = tpu.memref_slice %arg2[%add3A_111, %dma_start3A_114] : memref<16384x2048xf32, #tpu.memory_space<hbm>> -> memref<8x2048xf32, #tpu.memory_space<hbm>>
      tpu.enqueue_dma source(%dma_start3A_115 : memref<8x2048xf32, #tpu.memory_space<hbm>>) target(%arg7 : memref<8x2048xf32, #tpu.memory_space<vmem>>) target_semaphore(%arg11 : memref<!tpu.dma_semaphore, #tpu.memory_space<semaphore_mem>>)
      %mul3A_116 = arith.constant 8 : i32
      %mul3A_117 = arith.muli %mul3A_106, %mul3A_116 : i32
      %add3A_118 = arith.addi %mul3A_2, %mul3A_117 : i32
      %dma_wait3A_119 = arith.constant 0 : i32
      %dma_wait3A_120 = tpu.memref_slice %arg2[%add3A_118, %dma_wait3A_119] : memref<16384x2048xf32, #tpu.memory_space<hbm>> -> memref<8x2048xf32, #tpu.memory_space<hbm>>
      %dma_wait3A_121 = arith.constant 0 : i32
      %dma_wait3A_122 = tpu.memref_slice %arg2[%add3A_118, %dma_wait3A_121] : memref<16384x2048xf32, #tpu.memory_space<hbm>> -> memref<8x2048xf32, #tpu.memory_space<hbm>>
      tpu.wait_dma2 semaphore(%arg10 : memref<!tpu.dma_semaphore, #tpu.memory_space<semaphore_mem>>) src(%dma_wait3A_122 : memref<8x2048xf32, #tpu.memory_space<hbm>>) dst(%arg6 : memref<8x2048xf32, #tpu.memory_space<vmem>>)
      %gt3A = arith.constant 0 : i32
      %gt3A_123 = arith.cmpi sgt, %scan3A_104, %gt3A : i32
      %convert_element_type3A = arith.extui %gt3A_123 : i1 to i32
      %cond3A = arith.constant 0 : i32
      %cond3A_124 = arith.cmpi ne, %convert_element_type3A, %cond3A : i32
      scf.if %cond3A_124 {
        %mul3A_166 = arith.constant 8 : i32
        %mul3A_167 = arith.muli %mul3A_106, %mul3A_166 : i32
        %add3A_168 = arith.addi %mul3A_2, %mul3A_167 : i32
        %dma_wait3A_169 = arith.constant 0 : i32
        %dma_wait3A_170 = tpu.memref_slice %arg4[%add3A_168, %dma_wait3A_169] : memref<7168x2048xf32, #tpu.memory_space<hbm>> -> memref<8x2048xf32, #tpu.memory_space<hbm>>
        %dma_wait3A_171 = arith.constant 0 : i32
        %dma_wait3A_172 = tpu.memref_slice %arg4[%add3A_168, %dma_wait3A_171] : memref<7168x2048xf32, #tpu.memory_space<hbm>> -> memref<8x2048xf32, #tpu.memory_space<hbm>>
        tpu.wait_dma2 semaphore(%arg12 : memref<!tpu.dma_semaphore, #tpu.memory_space<semaphore_mem>>) src(%arg8 : memref<8x2048xf32, #tpu.memory_space<vmem>>) dst(%dma_wait3A_172 : memref<8x2048xf32, #tpu.memory_space<hbm>>)
      } else {
      }
      %parallel_loop3A = arith.constant 0 : i32
      %parallel_loop3A_125 = arith.constant 128 : i32
      %parallel_loop3A_126 = arith.constant 1 : i32
      scf.for %parallel_loop3A_166 = %parallel_loop3A to %parallel_loop3A_125 step %parallel_loop3A_126  : i32 {
        %parallel_loop3A_167 = arith.constant 3 : i32
        %parallel_loop3A_168 = arith.shrsi %parallel_loop3A_166, %parallel_loop3A_167 : i32
        %parallel_loop3A_169 = arith.constant 7 : i32
        %parallel_loop3A_170 = arith.andi %parallel_loop3A_166, %parallel_loop3A_169 : i32
        %parallel_loop3A_171 = arith.constant 128 : i32
        %parallel_loop3A_172 = arith.muli %parallel_loop3A_168, %parallel_loop3A_171 : i32
        %parallel_loop3A_173 = arith.constant 0 : i32
        %parallel_loop3A_174 = arith.addi %parallel_loop3A_172, %parallel_loop3A_173 : i32
        %parallel_loop3A_175 = arith.index_cast %parallel_loop3A_170 : i32 to index
        %parallel_loop3A_176 = arith.index_cast %parallel_loop3A_174 : i32 to index
        %parallel_loop3A_177 = tpu.vector_load %arg6[%parallel_loop3A_175, %parallel_loop3A_176] {strides = array<i32>} : memref<8x2048xf32, #tpu.memory_space<vmem>>, vector<16xf32>,
        %parallel_loop3A_178 = arith.cmpf olt, %gather3A_82, %parallel_loop3A_177 : vector<16xf32>
        %parallel_loop3A_179 = arith.constant 8 : i32
        %parallel_loop3A_180 = arith.constant 0 : i32
        %parallel_loop3A_181 = vector.broadcast %parallel_loop3A_179 : i32 to vector<16xi32>
        %parallel_loop3A_182 = vector.broadcast %parallel_loop3A_180 : i32 to vector<16xi32>
        %parallel_loop3A_183 = arith.select %parallel_loop3A_178, %parallel_loop3A_181, %parallel_loop3A_182 : vector<16xi1>, vector<16xi32>
        %parallel_loop3A_184 = arith.constant 3 : i32
        %parallel_loop3A_185 = vector.broadcast %parallel_loop3A_184 : i32 to vector<16xi32>
        %parallel_loop3A_186 = arith.addi %parallel_loop3A_183, %parallel_loop3A_185 : vector<16xi32>
        %parallel_loop3A_187 = vector.shape_cast %parallel_loop3A_186 : vector<16xi32> to vector<16x1xi32>
        %parallel_loop3A_188 = vector.shape_cast %parallel_loop3A_187 : vector<16x1xi32> to vector<16xi32>
        %parallel_loop3A_189 = tpu.dynamic_gather %sub3A_77[%parallel_loop3A_188] in [0] : vector<16xf32>, vector<16xi32> -> vector<16xf32>
        %parallel_loop3A_190 = arith.cmpf olt, %parallel_loop3A_189, %parallel_loop3A_177 : vector<16xf32>
        %parallel_loop3A_191 = arith.constant 4 : i32
        %parallel_loop3A_192 = arith.constant 0 : i32
        %parallel_loop3A_193 = vector.broadcast %parallel_loop3A_191 : i32 to vector<16xi32>
        %parallel_loop3A_194 = vector.broadcast %parallel_loop3A_192 : i32 to vector<16xi32>
        %parallel_loop3A_195 = arith.select %parallel_loop3A_190, %parallel_loop3A_193, %parallel_loop3A_194 : vector<16xi1>, vector<16xi32>
        %parallel_loop3A_196 = arith.addi %parallel_loop3A_183, %parallel_loop3A_195 : vector<16xi32>
        %parallel_loop3A_197 = arith.constant 1 : i32
        %parallel_loop3A_198 = vector.broadcast %parallel_loop3A_197 : i32 to vector<16xi32>
        %parallel_loop3A_199 = arith.addi %parallel_loop3A_196, %parallel_loop3A_198 : vector<16xi32>
        %parallel_loop3A_200 = vector.shape_cast %parallel_loop3A_199 : vector<16xi32> to vector<16x1xi32>
        %parallel_loop3A_201 = vector.shape_cast %parallel_loop3A_200 : vector<16x1xi32> to vector<16xi32>
        %parallel_loop3A_202 = tpu.dynamic_gather %sub3A_77[%parallel_loop3A_201] in [0] : vector<16xf32>, vector<16xi32> -> vector<16xf32>
        %parallel_loop3A_203 = arith.cmpf olt, %parallel_loop3A_202, %parallel_loop3A_177 : vector<16xf32>
        %parallel_loop3A_204 = arith.constant 2 : i32
        %parallel_loop3A_205 = arith.constant 0 : i32
        %parallel_loop3A_206 = vector.broadcast %parallel_loop3A_204 : i32 to vector<16xi32>
        %parallel_loop3A_207 = vector.broadcast %parallel_loop3A_205 : i32 to vector<16xi32>
        %parallel_loop3A_208 = arith.select %parallel_loop3A_203, %parallel_loop3A_206, %parallel_loop3A_207 : vector<16xi1>, vector<16xi32>
        %parallel_loop3A_209 = arith.addi %parallel_loop3A_196, %parallel_loop3A_208 : vector<16xi32>
        %parallel_loop3A_210 = arith.constant 0 : i32
        %parallel_loop3A_211 = vector.broadcast %parallel_loop3A_210 : i32 to vector<16xi32>
        %parallel_loop3A_212 = arith.addi %parallel_loop3A_209, %parallel_loop3A_211 : vector<16xi32>
        %parallel_loop3A_213 = vector.shape_cast %parallel_loop3A_212 : vector<16xi32> to vector<16x1xi32>
        %parallel_loop3A_214 = vector.shape_cast %parallel_loop3A_213 : vector<16x1xi32> to vector<16xi32>
        %parallel_loop3A_215 = tpu.dynamic_gather %sub3A_77[%parallel_loop3A_214] in [0] : vector<16xf32>, vector<16xi32> -> vector<16xf32>
        %parallel_loop3A_216 = arith.cmpf olt, %parallel_loop3A_215, %parallel_loop3A_177 : vector<16xf32>
        %parallel_loop3A_217 = arith.constant 1 : i32
        %parallel_loop3A_218 = arith.constant 0 : i32
        %parallel_loop3A_219 = vector.broadcast %parallel_loop3A_217 : i32 to vector<16xi32>
        %parallel_loop3A_220 = vector.broadcast %parallel_loop3A_218 : i32 to vector<16xi32>
        %parallel_loop3A_221 = arith.select %parallel_loop3A_216, %parallel_loop3A_219, %parallel_loop3A_220 : vector<16xi1>, vector<16xi32>
        %parallel_loop3A_222 = arith.addi %parallel_loop3A_209, %parallel_loop3A_221 : vector<16xi32>
        %parallel_loop3A_223 = vector.shape_cast %parallel_loop3A_222 : vector<16xi32> to vector<16x1xi32>
        %parallel_loop3A_224 = vector.shape_cast %parallel_loop3A_223 : vector<16x1xi32> to vector<16xi32>
        %parallel_loop3A_225 = tpu.dynamic_gather %select_n3A_73[%parallel_loop3A_224] in [0] : vector<16xf32>, vector<16xi32> -> vector<16xf32>
        %parallel_loop3A_226 = arith.constant 0 : i32
        %parallel_loop3A_227 = arith.addi %parallel_loop3A_172, %parallel_loop3A_226 : i32
        %parallel_loop3A_228 = arith.index_cast %parallel_loop3A_170 : i32 to index
        %parallel_loop3A_229 = arith.index_cast %parallel_loop3A_227 : i32 to index
        %parallel_loop3A_230 = tpu.vector_load %arg8[%parallel_loop3A_228, %parallel_loop3A_229] {strides = array<i32>} : memref<8x2048xf32, #tpu.memory_space<vmem>>, vector<16xf32>,
        tpu.vector_store %arg8[%parallel_loop3A_228, %parallel_loop3A_229], %parallel_loop3A_225 {strides = array<i32>} : memref<8x2048xf32, #tpu.memory_space<vmem>>, vector<16xf32>,
        %parallel_loop3A_231 = arith.constant 16 : i32
        %parallel_loop3A_232 = arith.addi %parallel_loop3A_172, %parallel_loop3A_231 : i32
        %parallel_loop3A_233 = arith.index_cast %parallel_loop3A_170 : i32 to index
        %parallel_loop3A_234 = arith.index_cast %parallel_loop3A_232 : i32 to index
        %parallel_loop3A_235 = tpu.vector_load %arg6[%parallel_loop3A_233, %parallel_loop3A_234] {strides = array<i32>} : memref<8x2048xf32, #tpu.memory_space<vmem>>, vector<16xf32>,
        %parallel_loop3A_236 = arith.cmpf olt, %gather3A_82, %parallel_loop3A_235 : vector<16xf32>
        %parallel_loop3A_237 = arith.constant 8 : i32
        %parallel_loop3A_238 = arith.constant 0 : i32
        %parallel_loop3A_239 = vector.broadcast %parallel_loop3A_237 : i32 to vector<16xi32>
        %parallel_loop3A_240 = vector.broadcast %parallel_loop3A_238 : i32 to vector<16xi32>
        %parallel_loop3A_241 = arith.select %parallel_loop3A_236, %parallel_loop3A_239, %parallel_loop3A_240 : vector<16xi1>, vector<16xi32>
        %parallel_loop3A_242 = arith.constant 3 : i32
        %parallel_loop3A_243 = vector.broadcast %parallel_loop3A_242 : i32 to vector<16xi32>
        %parallel_loop3A_244 = arith.addi %parallel_loop3A_241, %parallel_loop3A_243 : vector<16xi32>
        %parallel_loop3A_245 = vector.shape_cast %parallel_loop3A_244 : vector<16xi32> to vector<16x1xi32>
        %parallel_loop3A_246 = vector.shape_cast %parallel_loop3A_245 : vector<16x1xi32> to vector<16xi32>
        %parallel_loop3A_247 = tpu.dynamic_gather %sub3A_77[%parallel_loop3A_246] in [0] : vector<16xf32>, vector<16xi32> -> vector<16xf32>
        %parallel_loop3A_248 = arith.cmpf olt, %parallel_loop3A_247, %parallel_loop3A_235 : vector<16xf32>
        %parallel_loop3A_249 = arith.constant 4 : i32
        %parallel_loop3A_250 = arith.constant 0 : i32
        %parallel_loop3A_251 = vector.broadcast %parallel_loop3A_249 : i32 to vector<16xi32>
        %parallel_loop3A_252 = vector.broadcast %parallel_loop3A_250 : i32 to vector<16xi32>
        %parallel_loop3A_253 = arith.select %parallel_loop3A_248, %parallel_loop3A_251, %parallel_loop3A_252 : vector<16xi1>, vector<16xi32>
        %parallel_loop3A_254 = arith.addi %parallel_loop3A_241, %parallel_loop3A_253 : vector<16xi32>
        %parallel_loop3A_255 = arith.constant 1 : i32
        %parallel_loop3A_256 = vector.broadcast %parallel_loop3A_255 : i32 to vector<16xi32>
        %parallel_loop3A_257 = arith.addi %parallel_loop3A_254, %parallel_loop3A_256 : vector<16xi32>
        %parallel_loop3A_258 = vector.shape_cast %parallel_loop3A_257 : vector<16xi32> to vector<16x1xi32>
        %parallel_loop3A_259 = vector.shape_cast %parallel_loop3A_258 : vector<16x1xi32> to vector<16xi32>
        %parallel_loop3A_260 = tpu.dynamic_gather %sub3A_77[%parallel_loop3A_259] in [0] : vector<16xf32>, vector<16xi32> -> vector<16xf32>
        %parallel_loop3A_261 = arith.cmpf olt, %parallel_loop3A_260, %parallel_loop3A_235 : vector<16xf32>
        %parallel_loop3A_262 = arith.constant 2 : i32
        %parallel_loop3A_263 = arith.constant 0 : i32
        %parallel_loop3A_264 = vector.broadcast %parallel_loop3A_262 : i32 to vector<16xi32>
        %parallel_loop3A_265 = vector.broadcast %parallel_loop3A_263 : i32 to vector<16xi32>
        %parallel_loop3A_266 = arith.select %parallel_loop3A_261, %parallel_loop3A_264, %parallel_loop3A_265 : vector<16xi1>, vector<16xi32>
        %parallel_loop3A_267 = arith.addi %parallel_loop3A_254, %parallel_loop3A_266 : vector<16xi32>
        %parallel_loop3A_268 = arith.constant 0 : i32
        %parallel_loop3A_269 = vector.broadcast %parallel_loop3A_268 : i32 to vector<16xi32>
        %parallel_loop3A_270 = arith.addi %parallel_loop3A_267, %parallel_loop3A_269 : vector<16xi32>
        %parallel_loop3A_271 = vector.shape_cast %parallel_loop3A_270 : vector<16xi32> to vector<16x1xi32>
        %parallel_loop3A_272 = vector.shape_cast %parallel_loop3A_271 : vector<16x1xi32> to vector<16xi32>
        %parallel_loop3A_273 = tpu.dynamic_gather %sub3A_77[%parallel_loop3A_272] in [0] : vector<16xf32>, vector<16xi32> -> vector<16xf32>
        %parallel_loop3A_274 = arith.cmpf olt, %parallel_loop3A_273, %parallel_loop3A_235 : vector<16xf32>
        %parallel_loop3A_275 = arith.constant 1 : i32
        %parallel_loop3A_276 = arith.constant 0 : i32
        %parallel_loop3A_277 = vector.broadcast %parallel_loop3A_275 : i32 to vector<16xi32>
        %parallel_loop3A_278 = vector.broadcast %parallel_loop3A_276 : i32 to vector<16xi32>
        %parallel_loop3A_279 = arith.select %parallel_loop3A_274, %parallel_loop3A_277, %parallel_loop3A_278 : vector<16xi1>, vector<16xi32>
        %parallel_loop3A_280 = arith.addi %parallel_loop3A_267, %parallel_loop3A_279 : vector<16xi32>
        %parallel_loop3A_281 = vector.shape_cast %parallel_loop3A_280 : vector<16xi32> to vector<16x1xi32>
        %parallel_loop3A_282 = vector.shape_cast %parallel_loop3A_281 : vector<16x1xi32> to vector<16xi32>
        %parallel_loop3A_283 = tpu.dynamic_gather %select_n3A_73[%parallel_loop3A_282] in [0] : vector<16xf32>, vector<16xi32> -> vector<16xf32>
        %parallel_loop3A_284 = arith.constant 16 : i32
        %parallel_loop3A_285 = arith.addi %parallel_loop3A_172, %parallel_loop3A_284 : i32
        %parallel_loop3A_286 = arith.index_cast %parallel_loop3A_170 : i32 to index
        %parallel_loop3A_287 = arith.index_cast %parallel_loop3A_285 : i32 to index
        %parallel_loop3A_288 = tpu.vector_load %arg8[%parallel_loop3A_286, %parallel_loop3A_287] {strides = array<i32>} : memref<8x2048xf32, #tpu.memory_space<vmem>>, vector<16xf32>,
        tpu.vector_store %arg8[%parallel_loop3A_286, %parallel_loop3A_287], %parallel_loop3A_283 {strides = array<i32>} : memref<8x2048xf32, #tpu.memory_space<vmem>>, vector<16xf32>,
        %parallel_loop3A_289 = arith.constant 32 : i32
        %parallel_loop3A_290 = arith.addi %parallel_loop3A_172, %parallel_loop3A_289 : i32
        %parallel_loop3A_291 = arith.index_cast %parallel_loop3A_170 : i32 to index
        %parallel_loop3A_292 = arith.index_cast %parallel_loop3A_290 : i32 to index
        %parallel_loop3A_293 = tpu.vector_load %arg6[%parallel_loop3A_291, %parallel_loop3A_292] {strides = array<i32>} : memref<8x2048xf32, #tpu.memory_space<vmem>>, vector<16xf32>,
        %parallel_loop3A_294 = arith.cmpf olt, %gather3A_82, %parallel_loop3A_293 : vector<16xf32>
        %parallel_loop3A_295 = arith.constant 8 : i32
        %parallel_loop3A_296 = arith.constant 0 : i32
        %parallel_loop3A_297 = vector.broadcast %parallel_loop3A_295 : i32 to vector<16xi32>
        %parallel_loop3A_298 = vector.broadcast %parallel_loop3A_296 : i32 to vector<16xi32>
        %parallel_loop3A_299 = arith.select %parallel_loop3A_294, %parallel_loop3A_297, %parallel_loop3A_298 : vector<16xi1>, vector<16xi32>
        %parallel_loop3A_300 = arith.constant 3 : i32
        %parallel_loop3A_301 = vector.broadcast %parallel_loop3A_300 : i32 to vector<16xi32>
        %parallel_loop3A_302 = arith.addi %parallel_loop3A_299, %parallel_loop3A_301 : vector<16xi32>
        %parallel_loop3A_303 = vector.shape_cast %parallel_loop3A_302 : vector<16xi32> to vector<16x1xi32>
        %parallel_loop3A_304 = vector.shape_cast %parallel_loop3A_303 : vector<16x1xi32> to vector<16xi32>
        %parallel_loop3A_305 = tpu.dynamic_gather %sub3A_77[%parallel_loop3A_304] in [0] : vector<16xf32>, vector<16xi32> -> vector<16xf32>
        %parallel_loop3A_306 = arith.cmpf olt, %parallel_loop3A_305, %parallel_loop3A_293 : vector<16xf32>
        %parallel_loop3A_307 = arith.constant 4 : i32
        %parallel_loop3A_308 = arith.constant 0 : i32
        %parallel_loop3A_309 = vector.broadcast %parallel_loop3A_307 : i32 to vector<16xi32>
        %parallel_loop3A_310 = vector.broadcast %parallel_loop3A_308 : i32 to vector<16xi32>
        %parallel_loop3A_311 = arith.select %parallel_loop3A_306, %parallel_loop3A_309, %parallel_loop3A_310 : vector<16xi1>, vector<16xi32>
        %parallel_loop3A_312 = arith.addi %parallel_loop3A_299, %parallel_loop3A_311 : vector<16xi32>
        %parallel_loop3A_313 = arith.constant 1 : i32
        %parallel_loop3A_314 = vector.broadcast %parallel_loop3A_313 : i32 to vector<16xi32>
        %parallel_loop3A_315 = arith.addi %parallel_loop3A_312, %parallel_loop3A_314 : vector<16xi32>
        %parallel_loop3A_316 = vector.shape_cast %parallel_loop3A_315 : vector<16xi32> to vector<16x1xi32>
        %parallel_loop3A_317 = vector.shape_cast %parallel_loop3A_316 : vector<16x1xi32> to vector<16xi32>
        %parallel_loop3A_318 = tpu.dynamic_gather %sub3A_77[%parallel_loop3A_317] in [0] : vector<16xf32>, vector<16xi32> -> vector<16xf32>
        %parallel_loop3A_319 = arith.cmpf olt, %parallel_loop3A_318, %parallel_loop3A_293 : vector<16xf32>
        %parallel_loop3A_320 = arith.constant 2 : i32
        %parallel_loop3A_321 = arith.constant 0 : i32
        %parallel_loop3A_322 = vector.broadcast %parallel_loop3A_320 : i32 to vector<16xi32>
        %parallel_loop3A_323 = vector.broadcast %parallel_loop3A_321 : i32 to vector<16xi32>
        %parallel_loop3A_324 = arith.select %parallel_loop3A_319, %parallel_loop3A_322, %parallel_loop3A_323 : vector<16xi1>, vector<16xi32>
        %parallel_loop3A_325 = arith.addi %parallel_loop3A_312, %parallel_loop3A_324 : vector<16xi32>
        %parallel_loop3A_326 = arith.constant 0 : i32
        %parallel_loop3A_327 = vector.broadcast %parallel_loop3A_326 : i32 to vector<16xi32>
        %parallel_loop3A_328 = arith.addi %parallel_loop3A_325, %parallel_loop3A_327 : vector<16xi32>
        %parallel_loop3A_329 = vector.shape_cast %parallel_loop3A_328 : vector<16xi32> to vector<16x1xi32>
        %parallel_loop3A_330 = vector.shape_cast %parallel_loop3A_329 : vector<16x1xi32> to vector<16xi32>
        %parallel_loop3A_331 = tpu.dynamic_gather %sub3A_77[%parallel_loop3A_330] in [0] : vector<16xf32>, vector<16xi32> -> vector<16xf32>
        %parallel_loop3A_332 = arith.cmpf olt, %parallel_loop3A_331, %parallel_loop3A_293 : vector<16xf32>
        %parallel_loop3A_333 = arith.constant 1 : i32
        %parallel_loop3A_334 = arith.constant 0 : i32
        %parallel_loop3A_335 = vector.broadcast %parallel_loop3A_333 : i32 to vector<16xi32>
        %parallel_loop3A_336 = vector.broadcast %parallel_loop3A_334 : i32 to vector<16xi32>
        %parallel_loop3A_337 = arith.select %parallel_loop3A_332, %parallel_loop3A_335, %parallel_loop3A_336 : vector<16xi1>, vector<16xi32>
        %parallel_loop3A_338 = arith.addi %parallel_loop3A_325, %parallel_loop3A_337 : vector<16xi32>
        %parallel_loop3A_339 = vector.shape_cast %parallel_loop3A_338 : vector<16xi32> to vector<16x1xi32>
        %parallel_loop3A_340 = vector.shape_cast %parallel_loop3A_339 : vector<16x1xi32> to vector<16xi32>
        %parallel_loop3A_341 = tpu.dynamic_gather %select_n3A_73[%parallel_loop3A_340] in [0] : vector<16xf32>, vector<16xi32> -> vector<16xf32>
        %parallel_loop3A_342 = arith.constant 32 : i32
        %parallel_loop3A_343 = arith.addi %parallel_loop3A_172, %parallel_loop3A_342 : i32
        %parallel_loop3A_344 = arith.index_cast %parallel_loop3A_170 : i32 to index
        %parallel_loop3A_345 = arith.index_cast %parallel_loop3A_343 : i32 to index
        %parallel_loop3A_346 = tpu.vector_load %arg8[%parallel_loop3A_344, %parallel_loop3A_345] {strides = array<i32>} : memref<8x2048xf32, #tpu.memory_space<vmem>>, vector<16xf32>,
        tpu.vector_store %arg8[%parallel_loop3A_344, %parallel_loop3A_345], %parallel_loop3A_341 {strides = array<i32>} : memref<8x2048xf32, #tpu.memory_space<vmem>>, vector<16xf32>,
        %parallel_loop3A_347 = arith.constant 48 : i32
        %parallel_loop3A_348 = arith.addi %parallel_loop3A_172, %parallel_loop3A_347 : i32
        %parallel_loop3A_349 = arith.index_cast %parallel_loop3A_170 : i32 to index
        %parallel_loop3A_350 = arith.index_cast %parallel_loop3A_348 : i32 to index
        %parallel_loop3A_351 = tpu.vector_load %arg6[%parallel_loop3A_349, %parallel_loop3A_350] {strides = array<i32>} : memref<8x2048xf32, #tpu.memory_space<vmem>>, vector<16xf32>,
        %parallel_loop3A_352 = arith.cmpf olt, %gather3A_82, %parallel_loop3A_351 : vector<16xf32>
        %parallel_loop3A_353 = arith.constant 8 : i32
        %parallel_loop3A_354 = arith.constant 0 : i32
        %parallel_loop3A_355 = vector.broadcast %parallel_loop3A_353 : i32 to vector<16xi32>
        %parallel_loop3A_356 = vector.broadcast %parallel_loop3A_354 : i32 to vector<16xi32>
        %parallel_loop3A_357 = arith.select %parallel_loop3A_352, %parallel_loop3A_355, %parallel_loop3A_356 : vector<16xi1>, vector<16xi32>
        %parallel_loop3A_358 = arith.constant 3 : i32
        %parallel_loop3A_359 = vector.broadcast %parallel_loop3A_358 : i32 to vector<16xi32>
        %parallel_loop3A_360 = arith.addi %parallel_loop3A_357, %parallel_loop3A_359 : vector<16xi32>
        %parallel_loop3A_361 = vector.shape_cast %parallel_loop3A_360 : vector<16xi32> to vector<16x1xi32>
        %parallel_loop3A_362 = vector.shape_cast %parallel_loop3A_361 : vector<16x1xi32> to vector<16xi32>
        %parallel_loop3A_363 = tpu.dynamic_gather %sub3A_77[%parallel_loop3A_362] in [0] : vector<16xf32>, vector<16xi32> -> vector<16xf32>
        %parallel_loop3A_364 = arith.cmpf olt, %parallel_loop3A_363, %parallel_loop3A_351 : vector<16xf32>
        %parallel_loop3A_365 = arith.constant 4 : i32
        %parallel_loop3A_366 = arith.constant 0 : i32
        %parallel_loop3A_367 = vector.broadcast %parallel_loop3A_365 : i32 to vector<16xi32>
        %parallel_loop3A_368 = vector.broadcast %parallel_loop3A_366 : i32 to vector<16xi32>
        %parallel_loop3A_369 = arith.select %parallel_loop3A_364, %parallel_loop3A_367, %parallel_loop3A_368 : vector<16xi1>, vector<16xi32>
        %parallel_loop3A_370 = arith.addi %parallel_loop3A_357, %parallel_loop3A_369 : vector<16xi32>
        %parallel_loop3A_371 = arith.constant 1 : i32
        %parallel_loop3A_372 = vector.broadcast %parallel_loop3A_371 : i32 to vector<16xi32>
        %parallel_loop3A_373 = arith.addi %parallel_loop3A_370, %parallel_loop3A_372 : vector<16xi32>
        %parallel_loop3A_374 = vector.shape_cast %parallel_loop3A_373 : vector<16xi32> to vector<16x1xi32>
        %parallel_loop3A_375 = vector.shape_cast %parallel_loop3A_374 : vector<16x1xi32> to vector<16xi32>
        %parallel_loop3A_376 = tpu.dynamic_gather %sub3A_77[%parallel_loop3A_375] in [0] : vector<16xf32>, vector<16xi32> -> vector<16xf32>
        %parallel_loop3A_377 = arith.cmpf olt, %parallel_loop3A_376, %parallel_loop3A_351 : vector<16xf32>
        %parallel_loop3A_378 = arith.constant 2 : i32
        %parallel_loop3A_379 = arith.constant 0 : i32
        %parallel_loop3A_380 = vector.broadcast %parallel_loop3A_378 : i32 to vector<16xi32>
        %parallel_loop3A_381 = vector.broadcast %parallel_loop3A_379 : i32 to vector<16xi32>
        %parallel_loop3A_382 = arith.select %parallel_loop3A_377, %parallel_loop3A_380, %parallel_loop3A_381 : vector<16xi1>, vector<16xi32>
        %parallel_loop3A_383 = arith.addi %parallel_loop3A_370, %parallel_loop3A_382 : vector<16xi32>
        %parallel_loop3A_384 = arith.constant 0 : i32
        %parallel_loop3A_385 = vector.broadcast %parallel_loop3A_384 : i32 to vector<16xi32>
        %parallel_loop3A_386 = arith.addi %parallel_loop3A_383, %parallel_loop3A_385 : vector<16xi32>
        %parallel_loop3A_387 = vector.shape_cast %parallel_loop3A_386 : vector<16xi32> to vector<16x1xi32>
        %parallel_loop3A_388 = vector.shape_cast %parallel_loop3A_387 : vector<16x1xi32> to vector<16xi32>
        %parallel_loop3A_389 = tpu.dynamic_gather %sub3A_77[%parallel_loop3A_388] in [0] : vector<16xf32>, vector<16xi32> -> vector<16xf32>
        %parallel_loop3A_390 = arith.cmpf olt, %parallel_loop3A_389, %parallel_loop3A_351 : vector<16xf32>
        %parallel_loop3A_391 = arith.constant 1 : i32
        %parallel_loop3A_392 = arith.constant 0 : i32
        %parallel_loop3A_393 = vector.broadcast %parallel_loop3A_391 : i32 to vector<16xi32>
        %parallel_loop3A_394 = vector.broadcast %parallel_loop3A_392 : i32 to vector<16xi32>
        %parallel_loop3A_395 = arith.select %parallel_loop3A_390, %parallel_loop3A_393, %parallel_loop3A_394 : vector<16xi1>, vector<16xi32>
        %parallel_loop3A_396 = arith.addi %parallel_loop3A_383, %parallel_loop3A_395 : vector<16xi32>
        %parallel_loop3A_397 = vector.shape_cast %parallel_loop3A_396 : vector<16xi32> to vector<16x1xi32>
        %parallel_loop3A_398 = vector.shape_cast %parallel_loop3A_397 : vector<16x1xi32> to vector<16xi32>
        %parallel_loop3A_399 = tpu.dynamic_gather %select_n3A_73[%parallel_loop3A_398] in [0] : vector<16xf32>, vector<16xi32> -> vector<16xf32>
        %parallel_loop3A_400 = arith.constant 48 : i32
        %parallel_loop3A_401 = arith.addi %parallel_loop3A_172, %parallel_loop3A_400 : i32
        %parallel_loop3A_402 = arith.index_cast %parallel_loop3A_170 : i32 to index
        %parallel_loop3A_403 = arith.index_cast %parallel_loop3A_401 : i32 to index
        %parallel_loop3A_404 = tpu.vector_load %arg8[%parallel_loop3A_402, %parallel_loop3A_403] {strides = array<i32>} : memref<8x2048xf32, #tpu.memory_space<vmem>>, vector<16xf32>,
        tpu.vector_store %arg8[%parallel_loop3A_402, %parallel_loop3A_403], %parallel_loop3A_399 {strides = array<i32>} : memref<8x2048xf32, #tpu.memory_space<vmem>>, vector<16xf32>,
        %parallel_loop3A_405 = arith.constant 64 : i32
        %parallel_loop3A_406 = arith.addi %parallel_loop3A_172, %parallel_loop3A_405 : i32
        %parallel_loop3A_407 = arith.index_cast %parallel_loop3A_170 : i32 to index
        %parallel_loop3A_408 = arith.index_cast %parallel_loop3A_406 : i32 to index
        %parallel_loop3A_409 = tpu.vector_load %arg6[%parallel_loop3A_407, %parallel_loop3A_408] {strides = array<i32>} : memref<8x2048xf32, #tpu.memory_space<vmem>>, vector<16xf32>,
        %parallel_loop3A_410 = arith.cmpf olt, %gather3A_82, %parallel_loop3A_409 : vector<16xf32>
        %parallel_loop3A_411 = arith.constant 8 : i32
        %parallel_loop3A_412 = arith.constant 0 : i32
        %parallel_loop3A_413 = vector.broadcast %parallel_loop3A_411 : i32 to vector<16xi32>
        %parallel_loop3A_414 = vector.broadcast %parallel_loop3A_412 : i32 to vector<16xi32>
        %parallel_loop3A_415 = arith.select %parallel_loop3A_410, %parallel_loop3A_413, %parallel_loop3A_414 : vector<16xi1>, vector<16xi32>
        %parallel_loop3A_416 = arith.constant 3 : i32
        %parallel_loop3A_417 = vector.broadcast %parallel_loop3A_416 : i32 to vector<16xi32>
        %parallel_loop3A_418 = arith.addi %parallel_loop3A_415, %parallel_loop3A_417 : vector<16xi32>
        %parallel_loop3A_419 = vector.shape_cast %parallel_loop3A_418 : vector<16xi32> to vector<16x1xi32>
        %parallel_loop3A_420 = vector.shape_cast %parallel_loop3A_419 : vector<16x1xi32> to vector<16xi32>
        %parallel_loop3A_421 = tpu.dynamic_gather %sub3A_77[%parallel_loop3A_420] in [0] : vector<16xf32>, vector<16xi32> -> vector<16xf32>
        %parallel_loop3A_422 = arith.cmpf olt, %parallel_loop3A_421, %parallel_loop3A_409 : vector<16xf32>
        %parallel_loop3A_423 = arith.constant 4 : i32
        %parallel_loop3A_424 = arith.constant 0 : i32
        %parallel_loop3A_425 = vector.broadcast %parallel_loop3A_423 : i32 to vector<16xi32>
        %parallel_loop3A_426 = vector.broadcast %parallel_loop3A_424 : i32 to vector<16xi32>
        %parallel_loop3A_427 = arith.select %parallel_loop3A_422, %parallel_loop3A_425, %parallel_loop3A_426 : vector<16xi1>, vector<16xi32>
        %parallel_loop3A_428 = arith.addi %parallel_loop3A_415, %parallel_loop3A_427 : vector<16xi32>
        %parallel_loop3A_429 = arith.constant 1 : i32
        %parallel_loop3A_430 = vector.broadcast %parallel_loop3A_429 : i32 to vector<16xi32>
        %parallel_loop3A_431 = arith.addi %parallel_loop3A_428, %parallel_loop3A_430 : vector<16xi32>
        %parallel_loop3A_432 = vector.shape_cast %parallel_loop3A_431 : vector<16xi32> to vector<16x1xi32>
        %parallel_loop3A_433 = vector.shape_cast %parallel_loop3A_432 : vector<16x1xi32> to vector<16xi32>
        %parallel_loop3A_434 = tpu.dynamic_gather %sub3A_77[%parallel_loop3A_433] in [0] : vector<16xf32>, vector<16xi32> -> vector<16xf32>
        %parallel_loop3A_435 = arith.cmpf olt, %parallel_loop3A_434, %parallel_loop3A_409 : vector<16xf32>
        %parallel_loop3A_436 = arith.constant 2 : i32
        %parallel_loop3A_437 = arith.constant 0 : i32
        %parallel_loop3A_438 = vector.broadcast %parallel_loop3A_436 : i32 to vector<16xi32>
        %parallel_loop3A_439 = vector.broadcast %parallel_loop3A_437 : i32 to vector<16xi32>
        %parallel_loop3A_440 = arith.select %parallel_loop3A_435, %parallel_loop3A_438, %parallel_loop3A_439 : vector<16xi1>, vector<16xi32>
        %parallel_loop3A_441 = arith.addi %parallel_loop3A_428, %parallel_loop3A_440 : vector<16xi32>
        %parallel_loop3A_442 = arith.constant 0 : i32
        %parallel_loop3A_443 = vector.broadcast %parallel_loop3A_442 : i32 to vector<16xi32>
        %parallel_loop3A_444 = arith.addi %parallel_loop3A_441, %parallel_loop3A_443 : vector<16xi32>
        %parallel_loop3A_445 = vector.shape_cast %parallel_loop3A_444 : vector<16xi32> to vector<16x1xi32>
        %parallel_loop3A_446 = vector.shape_cast %parallel_loop3A_445 : vector<16x1xi32> to vector<16xi32>
        %parallel_loop3A_447 = tpu.dynamic_gather %sub3A_77[%parallel_loop3A_446] in [0] : vector<16xf32>, vector<16xi32> -> vector<16xf32>
        %parallel_loop3A_448 = arith.cmpf olt, %parallel_loop3A_447, %parallel_loop3A_409 : vector<16xf32>
        %parallel_loop3A_449 = arith.constant 1 : i32
        %parallel_loop3A_450 = arith.constant 0 : i32
        %parallel_loop3A_451 = vector.broadcast %parallel_loop3A_449 : i32 to vector<16xi32>
        %parallel_loop3A_452 = vector.broadcast %parallel_loop3A_450 : i32 to vector<16xi32>
        %parallel_loop3A_453 = arith.select %parallel_loop3A_448, %parallel_loop3A_451, %parallel_loop3A_452 : vector<16xi1>, vector<16xi32>
        %parallel_loop3A_454 = arith.addi %parallel_loop3A_441, %parallel_loop3A_453 : vector<16xi32>
        %parallel_loop3A_455 = vector.shape_cast %parallel_loop3A_454 : vector<16xi32> to vector<16x1xi32>
        %parallel_loop3A_456 = vector.shape_cast %parallel_loop3A_455 : vector<16x1xi32> to vector<16xi32>
        %parallel_loop3A_457 = tpu.dynamic_gather %select_n3A_73[%parallel_loop3A_456] in [0] : vector<16xf32>, vector<16xi32> -> vector<16xf32>
        %parallel_loop3A_458 = arith.constant 64 : i32
        %parallel_loop3A_459 = arith.addi %parallel_loop3A_172, %parallel_loop3A_458 : i32
        %parallel_loop3A_460 = arith.index_cast %parallel_loop3A_170 : i32 to index
        %parallel_loop3A_461 = arith.index_cast %parallel_loop3A_459 : i32 to index
        %parallel_loop3A_462 = tpu.vector_load %arg8[%parallel_loop3A_460, %parallel_loop3A_461] {strides = array<i32>} : memref<8x2048xf32, #tpu.memory_space<vmem>>, vector<16xf32>,
        tpu.vector_store %arg8[%parallel_loop3A_460, %parallel_loop3A_461], %parallel_loop3A_457 {strides = array<i32>} : memref<8x2048xf32, #tpu.memory_space<vmem>>, vector<16xf32>,
        %parallel_loop3A_463 = arith.constant 80 : i32
        %parallel_loop3A_464 = arith.addi %parallel_loop3A_172, %parallel_loop3A_463 : i32
        %parallel_loop3A_465 = arith.index_cast %parallel_loop3A_170 : i32 to index
        %parallel_loop3A_466 = arith.index_cast %parallel_loop3A_464 : i32 to index
        %parallel_loop3A_467 = tpu.vector_load %arg6[%parallel_loop3A_465, %parallel_loop3A_466] {strides = array<i32>} : memref<8x2048xf32, #tpu.memory_space<vmem>>, vector<16xf32>,
        %parallel_loop3A_468 = arith.cmpf olt, %gather3A_82, %parallel_loop3A_467 : vector<16xf32>
        %parallel_loop3A_469 = arith.constant 8 : i32
        %parallel_loop3A_470 = arith.constant 0 : i32
        %parallel_loop3A_471 = vector.broadcast %parallel_loop3A_469 : i32 to vector<16xi32>
        %parallel_loop3A_472 = vector.broadcast %parallel_loop3A_470 : i32 to vector<16xi32>
        %parallel_loop3A_473 = arith.select %parallel_loop3A_468, %parallel_loop3A_471, %parallel_loop3A_472 : vector<16xi1>, vector<16xi32>
        %parallel_loop3A_474 = arith.constant 3 : i32
        %parallel_loop3A_475 = vector.broadcast %parallel_loop3A_474 : i32 to vector<16xi32>
        %parallel_loop3A_476 = arith.addi %parallel_loop3A_473, %parallel_loop3A_475 : vector<16xi32>
        %parallel_loop3A_477 = vector.shape_cast %parallel_loop3A_476 : vector<16xi32> to vector<16x1xi32>
        %parallel_loop3A_478 = vector.shape_cast %parallel_loop3A_477 : vector<16x1xi32> to vector<16xi32>
        %parallel_loop3A_479 = tpu.dynamic_gather %sub3A_77[%parallel_loop3A_478] in [0] : vector<16xf32>, vector<16xi32> -> vector<16xf32>
        %parallel_loop3A_480 = arith.cmpf olt, %parallel_loop3A_479, %parallel_loop3A_467 : vector<16xf32>
        %parallel_loop3A_481 = arith.constant 4 : i32
        %parallel_loop3A_482 = arith.constant 0 : i32
        %parallel_loop3A_483 = vector.broadcast %parallel_loop3A_481 : i32 to vector<16xi32>
        %parallel_loop3A_484 = vector.broadcast %parallel_loop3A_482 : i32 to vector<16xi32>
        %parallel_loop3A_485 = arith.select %parallel_loop3A_480, %parallel_loop3A_483, %parallel_loop3A_484 : vector<16xi1>, vector<16xi32>
        %parallel_loop3A_486 = arith.addi %parallel_loop3A_473, %parallel_loop3A_485 : vector<16xi32>
        %parallel_loop3A_487 = arith.constant 1 : i32
        %parallel_loop3A_488 = vector.broadcast %parallel_loop3A_487 : i32 to vector<16xi32>
        %parallel_loop3A_489 = arith.addi %parallel_loop3A_486, %parallel_loop3A_488 : vector<16xi32>
        %parallel_loop3A_490 = vector.shape_cast %parallel_loop3A_489 : vector<16xi32> to vector<16x1xi32>
        %parallel_loop3A_491 = vector.shape_cast %parallel_loop3A_490 : vector<16x1xi32> to vector<16xi32>
        %parallel_loop3A_492 = tpu.dynamic_gather %sub3A_77[%parallel_loop3A_491] in [0] : vector<16xf32>, vector<16xi32> -> vector<16xf32>
        %parallel_loop3A_493 = arith.cmpf olt, %parallel_loop3A_492, %parallel_loop3A_467 : vector<16xf32>
        %parallel_loop3A_494 = arith.constant 2 : i32
        %parallel_loop3A_495 = arith.constant 0 : i32
        %parallel_loop3A_496 = vector.broadcast %parallel_loop3A_494 : i32 to vector<16xi32>
        %parallel_loop3A_497 = vector.broadcast %parallel_loop3A_495 : i32 to vector<16xi32>
        %parallel_loop3A_498 = arith.select %parallel_loop3A_493, %parallel_loop3A_496, %parallel_loop3A_497 : vector<16xi1>, vector<16xi32>
        %parallel_loop3A_499 = arith.addi %parallel_loop3A_486, %parallel_loop3A_498 : vector<16xi32>
        %parallel_loop3A_500 = arith.constant 0 : i32
        %parallel_loop3A_501 = vector.broadcast %parallel_loop3A_500 : i32 to vector<16xi32>
        %parallel_loop3A_502 = arith.addi %parallel_loop3A_499, %parallel_loop3A_501 : vector<16xi32>
        %parallel_loop3A_503 = vector.shape_cast %parallel_loop3A_502 : vector<16xi32> to vector<16x1xi32>
        %parallel_loop3A_504 = vector.shape_cast %parallel_loop3A_503 : vector<16x1xi32> to vector<16xi32>
        %parallel_loop3A_505 = tpu.dynamic_gather %sub3A_77[%parallel_loop3A_504] in [0] : vector<16xf32>, vector<16xi32> -> vector<16xf32>
        %parallel_loop3A_506 = arith.cmpf olt, %parallel_loop3A_505, %parallel_loop3A_467 : vector<16xf32>
        %parallel_loop3A_507 = arith.constant 1 : i32
        %parallel_loop3A_508 = arith.constant 0 : i32
        %parallel_loop3A_509 = vector.broadcast %parallel_loop3A_507 : i32 to vector<16xi32>
        %parallel_loop3A_510 = vector.broadcast %parallel_loop3A_508 : i32 to vector<16xi32>
        %parallel_loop3A_511 = arith.select %parallel_loop3A_506, %parallel_loop3A_509, %parallel_loop3A_510 : vector<16xi1>, vector<16xi32>
        %parallel_loop3A_512 = arith.addi %parallel_loop3A_499, %parallel_loop3A_511 : vector<16xi32>
        %parallel_loop3A_513 = vector.shape_cast %parallel_loop3A_512 : vector<16xi32> to vector<16x1xi32>
        %parallel_loop3A_514 = vector.shape_cast %parallel_loop3A_513 : vector<16x1xi32> to vector<16xi32>
        %parallel_loop3A_515 = tpu.dynamic_gather %select_n3A_73[%parallel_loop3A_514] in [0] : vector<16xf32>, vector<16xi32> -> vector<16xf32>
        %parallel_loop3A_516 = arith.constant 80 : i32
        %parallel_loop3A_517 = arith.addi %parallel_loop3A_172, %parallel_loop3A_516 : i32
        %parallel_loop3A_518 = arith.index_cast %parallel_loop3A_170 : i32 to index
        %parallel_loop3A_519 = arith.index_cast %parallel_loop3A_517 : i32 to index
        %parallel_loop3A_520 = tpu.vector_load %arg8[%parallel_loop3A_518, %parallel_loop3A_519] {strides = array<i32>} : memref<8x2048xf32, #tpu.memory_space<vmem>>, vector<16xf32>,
        tpu.vector_store %arg8[%parallel_loop3A_518, %parallel_loop3A_519], %parallel_loop3A_515 {strides = array<i32>} : memref<8x2048xf32, #tpu.memory_space<vmem>>, vector<16xf32>,
        %parallel_loop3A_521 = arith.constant 96 : i32
        %parallel_loop3A_522 = arith.addi %parallel_loop3A_172, %parallel_loop3A_521 : i32
        %parallel_loop3A_523 = arith.index_cast %parallel_loop3A_170 : i32 to index
        %parallel_loop3A_524 = arith.index_cast %parallel_loop3A_522 : i32 to index
        %parallel_loop3A_525 = tpu.vector_load %arg6[%parallel_loop3A_523, %parallel_loop3A_524] {strides = array<i32>} : memref<8x2048xf32, #tpu.memory_space<vmem>>, vector<16xf32>,
        %parallel_loop3A_526 = arith.cmpf olt, %gather3A_82, %parallel_loop3A_525 : vector<16xf32>
        %parallel_loop3A_527 = arith.constant 8 : i32
        %parallel_loop3A_528 = arith.constant 0 : i32
        %parallel_loop3A_529 = vector.broadcast %parallel_loop3A_527 : i32 to vector<16xi32>
        %parallel_loop3A_530 = vector.broadcast %parallel_loop3A_528 : i32 to vector<16xi32>
        %parallel_loop3A_531 = arith.select %parallel_loop3A_526, %parallel_loop3A_529, %parallel_loop3A_530 : vector<16xi1>, vector<16xi32>
        %parallel_loop3A_532 = arith.constant 3 : i32
        %parallel_loop3A_533 = vector.broadcast %parallel_loop3A_532 : i32 to vector<16xi32>
        %parallel_loop3A_534 = arith.addi %parallel_loop3A_531, %parallel_loop3A_533 : vector<16xi32>
        %parallel_loop3A_535 = vector.shape_cast %parallel_loop3A_534 : vector<16xi32> to vector<16x1xi32>
        %parallel_loop3A_536 = vector.shape_cast %parallel_loop3A_535 : vector<16x1xi32> to vector<16xi32>
        %parallel_loop3A_537 = tpu.dynamic_gather %sub3A_77[%parallel_loop3A_536] in [0] : vector<16xf32>, vector<16xi32> -> vector<16xf32>
        %parallel_loop3A_538 = arith.cmpf olt, %parallel_loop3A_537, %parallel_loop3A_525 : vector<16xf32>
        %parallel_loop3A_539 = arith.constant 4 : i32
        %parallel_loop3A_540 = arith.constant 0 : i32
        %parallel_loop3A_541 = vector.broadcast %parallel_loop3A_539 : i32 to vector<16xi32>
        %parallel_loop3A_542 = vector.broadcast %parallel_loop3A_540 : i32 to vector<16xi32>
        %parallel_loop3A_543 = arith.select %parallel_loop3A_538, %parallel_loop3A_541, %parallel_loop3A_542 : vector<16xi1>, vector<16xi32>
        %parallel_loop3A_544 = arith.addi %parallel_loop3A_531, %parallel_loop3A_543 : vector<16xi32>
        %parallel_loop3A_545 = arith.constant 1 : i32
        %parallel_loop3A_546 = vector.broadcast %parallel_loop3A_545 : i32 to vector<16xi32>
        %parallel_loop3A_547 = arith.addi %parallel_loop3A_544, %parallel_loop3A_546 : vector<16xi32>
        %parallel_loop3A_548 = vector.shape_cast %parallel_loop3A_547 : vector<16xi32> to vector<16x1xi32>
        %parallel_loop3A_549 = vector.shape_cast %parallel_loop3A_548 : vector<16x1xi32> to vector<16xi32>
        %parallel_loop3A_550 = tpu.dynamic_gather %sub3A_77[%parallel_loop3A_549] in [0] : vector<16xf32>, vector<16xi32> -> vector<16xf32>
        %parallel_loop3A_551 = arith.cmpf olt, %parallel_loop3A_550, %parallel_loop3A_525 : vector<16xf32>
        %parallel_loop3A_552 = arith.constant 2 : i32
        %parallel_loop3A_553 = arith.constant 0 : i32
        %parallel_loop3A_554 = vector.broadcast %parallel_loop3A_552 : i32 to vector<16xi32>
        %parallel_loop3A_555 = vector.broadcast %parallel_loop3A_553 : i32 to vector<16xi32>
        %parallel_loop3A_556 = arith.select %parallel_loop3A_551, %parallel_loop3A_554, %parallel_loop3A_555 : vector<16xi1>, vector<16xi32>
        %parallel_loop3A_557 = arith.addi %parallel_loop3A_544, %parallel_loop3A_556 : vector<16xi32>
        %parallel_loop3A_558 = arith.constant 0 : i32
        %parallel_loop3A_559 = vector.broadcast %parallel_loop3A_558 : i32 to vector<16xi32>
        %parallel_loop3A_560 = arith.addi %parallel_loop3A_557, %parallel_loop3A_559 : vector<16xi32>
        %parallel_loop3A_561 = vector.shape_cast %parallel_loop3A_560 : vector<16xi32> to vector<16x1xi32>
        %parallel_loop3A_562 = vector.shape_cast %parallel_loop3A_561 : vector<16x1xi32> to vector<16xi32>
        %parallel_loop3A_563 = tpu.dynamic_gather %sub3A_77[%parallel_loop3A_562] in [0] : vector<16xf32>, vector<16xi32> -> vector<16xf32>
        %parallel_loop3A_564 = arith.cmpf olt, %parallel_loop3A_563, %parallel_loop3A_525 : vector<16xf32>
        %parallel_loop3A_565 = arith.constant 1 : i32
        %parallel_loop3A_566 = arith.constant 0 : i32
        %parallel_loop3A_567 = vector.broadcast %parallel_loop3A_565 : i32 to vector<16xi32>
        %parallel_loop3A_568 = vector.broadcast %parallel_loop3A_566 : i32 to vector<16xi32>
        %parallel_loop3A_569 = arith.select %parallel_loop3A_564, %parallel_loop3A_567, %parallel_loop3A_568 : vector<16xi1>, vector<16xi32>
        %parallel_loop3A_570 = arith.addi %parallel_loop3A_557, %parallel_loop3A_569 : vector<16xi32>
        %parallel_loop3A_571 = vector.shape_cast %parallel_loop3A_570 : vector<16xi32> to vector<16x1xi32>
        %parallel_loop3A_572 = vector.shape_cast %parallel_loop3A_571 : vector<16x1xi32> to vector<16xi32>
        %parallel_loop3A_573 = tpu.dynamic_gather %select_n3A_73[%parallel_loop3A_572] in [0] : vector<16xf32>, vector<16xi32> -> vector<16xf32>
        %parallel_loop3A_574 = arith.constant 96 : i32
        %parallel_loop3A_575 = arith.addi %parallel_loop3A_172, %parallel_loop3A_574 : i32
        %parallel_loop3A_576 = arith.index_cast %parallel_loop3A_170 : i32 to index
        %parallel_loop3A_577 = arith.index_cast %parallel_loop3A_575 : i32 to index
        %parallel_loop3A_578 = tpu.vector_load %arg8[%parallel_loop3A_576, %parallel_loop3A_577] {strides = array<i32>} : memref<8x2048xf32, #tpu.memory_space<vmem>>, vector<16xf32>,
        tpu.vector_store %arg8[%parallel_loop3A_576, %parallel_loop3A_577], %parallel_loop3A_573 {strides = array<i32>} : memref<8x2048xf32, #tpu.memory_space<vmem>>, vector<16xf32>,
        %parallel_loop3A_579 = arith.constant 112 : i32
        %parallel_loop3A_580 = arith.addi %parallel_loop3A_172, %parallel_loop3A_579 : i32
        %parallel_loop3A_581 = arith.index_cast %parallel_loop3A_170 : i32 to index
        %parallel_loop3A_582 = arith.index_cast %parallel_loop3A_580 : i32 to index
        %parallel_loop3A_583 = tpu.vector_load %arg6[%parallel_loop3A_581, %parallel_loop3A_582] {strides = array<i32>} : memref<8x2048xf32, #tpu.memory_space<vmem>>, vector<16xf32>,
        %parallel_loop3A_584 = arith.cmpf olt, %gather3A_82, %parallel_loop3A_583 : vector<16xf32>
        %parallel_loop3A_585 = arith.constant 8 : i32
        %parallel_loop3A_586 = arith.constant 0 : i32
        %parallel_loop3A_587 = vector.broadcast %parallel_loop3A_585 : i32 to vector<16xi32>
        %parallel_loop3A_588 = vector.broadcast %parallel_loop3A_586 : i32 to vector<16xi32>
        %parallel_loop3A_589 = arith.select %parallel_loop3A_584, %parallel_loop3A_587, %parallel_loop3A_588 : vector<16xi1>, vector<16xi32>
        %parallel_loop3A_590 = arith.constant 3 : i32
        %parallel_loop3A_591 = vector.broadcast %parallel_loop3A_590 : i32 to vector<16xi32>
        %parallel_loop3A_592 = arith.addi %parallel_loop3A_589, %parallel_loop3A_591 : vector<16xi32>
        %parallel_loop3A_593 = vector.shape_cast %parallel_loop3A_592 : vector<16xi32> to vector<16x1xi32>
        %parallel_loop3A_594 = vector.shape_cast %parallel_loop3A_593 : vector<16x1xi32> to vector<16xi32>
        %parallel_loop3A_595 = tpu.dynamic_gather %sub3A_77[%parallel_loop3A_594] in [0] : vector<16xf32>, vector<16xi32> -> vector<16xf32>
        %parallel_loop3A_596 = arith.cmpf olt, %parallel_loop3A_595, %parallel_loop3A_583 : vector<16xf32>
        %parallel_loop3A_597 = arith.constant 4 : i32
        %parallel_loop3A_598 = arith.constant 0 : i32
        %parallel_loop3A_599 = vector.broadcast %parallel_loop3A_597 : i32 to vector<16xi32>
        %parallel_loop3A_600 = vector.broadcast %parallel_loop3A_598 : i32 to vector<16xi32>
        %parallel_loop3A_601 = arith.select %parallel_loop3A_596, %parallel_loop3A_599, %parallel_loop3A_600 : vector<16xi1>, vector<16xi32>
        %parallel_loop3A_602 = arith.addi %parallel_loop3A_589, %parallel_loop3A_601 : vector<16xi32>
        %parallel_loop3A_603 = arith.constant 1 : i32
        %parallel_loop3A_604 = vector.broadcast %parallel_loop3A_603 : i32 to vector<16xi32>
        %parallel_loop3A_605 = arith.addi %parallel_loop3A_602, %parallel_loop3A_604 : vector<16xi32>
        %parallel_loop3A_606 = vector.shape_cast %parallel_loop3A_605 : vector<16xi32> to vector<16x1xi32>
        %parallel_loop3A_607 = vector.shape_cast %parallel_loop3A_606 : vector<16x1xi32> to vector<16xi32>
        %parallel_loop3A_608 = tpu.dynamic_gather %sub3A_77[%parallel_loop3A_607] in [0] : vector<16xf32>, vector<16xi32> -> vector<16xf32>
        %parallel_loop3A_609 = arith.cmpf olt, %parallel_loop3A_608, %parallel_loop3A_583 : vector<16xf32>
        %parallel_loop3A_610 = arith.constant 2 : i32
        %parallel_loop3A_611 = arith.constant 0 : i32
        %parallel_loop3A_612 = vector.broadcast %parallel_loop3A_610 : i32 to vector<16xi32>
        %parallel_loop3A_613 = vector.broadcast %parallel_loop3A_611 : i32 to vector<16xi32>
        %parallel_loop3A_614 = arith.select %parallel_loop3A_609, %parallel_loop3A_612, %parallel_loop3A_613 : vector<16xi1>, vector<16xi32>
        %parallel_loop3A_615 = arith.addi %parallel_loop3A_602, %parallel_loop3A_614 : vector<16xi32>
        %parallel_loop3A_616 = arith.constant 0 : i32
        %parallel_loop3A_617 = vector.broadcast %parallel_loop3A_616 : i32 to vector<16xi32>
        %parallel_loop3A_618 = arith.addi %parallel_loop3A_615, %parallel_loop3A_617 : vector<16xi32>
        %parallel_loop3A_619 = vector.shape_cast %parallel_loop3A_618 : vector<16xi32> to vector<16x1xi32>
        %parallel_loop3A_620 = vector.shape_cast %parallel_loop3A_619 : vector<16x1xi32> to vector<16xi32>
        %parallel_loop3A_621 = tpu.dynamic_gather %sub3A_77[%parallel_loop3A_620] in [0] : vector<16xf32>, vector<16xi32> -> vector<16xf32>
        %parallel_loop3A_622 = arith.cmpf olt, %parallel_loop3A_621, %parallel_loop3A_583 : vector<16xf32>
        %parallel_loop3A_623 = arith.constant 1 : i32
        %parallel_loop3A_624 = arith.constant 0 : i32
        %parallel_loop3A_625 = vector.broadcast %parallel_loop3A_623 : i32 to vector<16xi32>
        %parallel_loop3A_626 = vector.broadcast %parallel_loop3A_624 : i32 to vector<16xi32>
        %parallel_loop3A_627 = arith.select %parallel_loop3A_622, %parallel_loop3A_625, %parallel_loop3A_626 : vector<16xi1>, vector<16xi32>
        %parallel_loop3A_628 = arith.addi %parallel_loop3A_615, %parallel_loop3A_627 : vector<16xi32>
        %parallel_loop3A_629 = vector.shape_cast %parallel_loop3A_628 : vector<16xi32> to vector<16x1xi32>
        %parallel_loop3A_630 = vector.shape_cast %parallel_loop3A_629 : vector<16x1xi32> to vector<16xi32>
        %parallel_loop3A_631 = tpu.dynamic_gather %select_n3A_73[%parallel_loop3A_630] in [0] : vector<16xf32>, vector<16xi32> -> vector<16xf32>
        %parallel_loop3A_632 = arith.constant 112 : i32
        %parallel_loop3A_633 = arith.addi %parallel_loop3A_172, %parallel_loop3A_632 : i32
        %parallel_loop3A_634 = arith.index_cast %parallel_loop3A_170 : i32 to index
        %parallel_loop3A_635 = arith.index_cast %parallel_loop3A_633 : i32 to index
        %parallel_loop3A_636 = tpu.vector_load %arg8[%parallel_loop3A_634, %parallel_loop3A_635] {strides = array<i32>} : memref<8x2048xf32, #tpu.memory_space<vmem>>, vector<16xf32>,
        tpu.vector_store %arg8[%parallel_loop3A_634, %parallel_loop3A_635], %parallel_loop3A_631 {strides = array<i32>} : memref<8x2048xf32, #tpu.memory_space<vmem>>, vector<16xf32>,
      } {sc.loop_unroll_factor = 1 : i64, sc.parallel_access}
      %mul3A_127 = arith.constant 8 : i32
      %mul3A_128 = arith.muli %mul3A_106, %mul3A_127 : i32
      %add3A_129 = arith.addi %mul3A_2, %mul3A_128 : i32
      %dma_start3A_130 = arith.constant 0 : i32
      %dma_start3A_131 = tpu.memref_slice %arg4[%add3A_129, %dma_start3A_130] : memref<7168x2048xf32, #tpu.memory_space<hbm>> -> memref<8x2048xf32, #tpu.memory_space<hbm>>
      %dma_start3A_132 = arith.constant 0 : i32
      %dma_start3A_133 = tpu.memref_slice %arg4[%add3A_129, %dma_start3A_132] : memref<7168x2048xf32, #tpu.memory_space<hbm>> -> memref<8x2048xf32, #tpu.memory_space<hbm>>
      tpu.enqueue_dma source(%arg8 : memref<8x2048xf32, #tpu.memory_space<vmem>>) target(%dma_start3A_133 : memref<8x2048xf32, #tpu.memory_space<hbm>>) target_semaphore(%arg12 : memref<!tpu.dma_semaphore, #tpu.memory_space<semaphore_mem>>)
      %add3A_134 = arith.constant 1 : i32
      %add3A_135 = arith.addi %scan3A_104, %add3A_134 : i32
      %lt3A = arith.constant 14 : i32
      %lt3A_136 = arith.cmpi slt, %add3A_135, %lt3A : i32
      %convert_element_type3A_137 = arith.extui %lt3A_136 : i1 to i32
      %cond3A_138 = arith.constant 0 : i32
      %cond3A_139 = arith.cmpi ne, %convert_element_type3A_137, %cond3A_138 : i32
      scf.if %cond3A_139 {
        %add3A_166 = arith.constant 2 : i32
        %add3A_167 = arith.addi %mul3A_106, %add3A_166 : i32
        %mul3A_168 = arith.constant 8 : i32
        %mul3A_169 = arith.muli %add3A_167, %mul3A_168 : i32
        %add3A_170 = arith.addi %mul3A_2, %mul3A_169 : i32
        %dma_start3A_171 = arith.constant 0 : i32
        %dma_start3A_172 = tpu.memref_slice %arg2[%add3A_170, %dma_start3A_171] : memref<16384x2048xf32, #tpu.memory_space<hbm>> -> memref<8x2048xf32, #tpu.memory_space<hbm>>
        %dma_start3A_173 = arith.constant 0 : i32
        %dma_start3A_174 = tpu.memref_slice %arg2[%add3A_170, %dma_start3A_173] : memref<16384x2048xf32, #tpu.memory_space<hbm>> -> memref<8x2048xf32, #tpu.memory_space<hbm>>
        tpu.enqueue_dma source(%dma_start3A_174 : memref<8x2048xf32, #tpu.memory_space<hbm>>) target(%arg6 : memref<8x2048xf32, #tpu.memory_space<vmem>>) target_semaphore(%arg10 : memref<!tpu.dma_semaphore, #tpu.memory_space<semaphore_mem>>)
      } else {
      }
      %add3A_140 = arith.constant 1 : i32
      %add3A_141 = arith.addi %mul3A_106, %add3A_140 : i32
      %mul3A_142 = arith.constant 8 : i32
      %mul3A_143 = arith.muli %add3A_141, %mul3A_142 : i32
      %add3A_144 = arith.addi %mul3A_2, %mul3A_143 : i32
      %dma_wait3A_145 = arith.constant 0 : i32
      %dma_wait3A_146 = tpu.memref_slice %arg2[%add3A_144, %dma_wait3A_145] : memref<16384x2048xf32, #tpu.memory_space<hbm>> -> memref<8x2048xf32, #tpu.memory_space<hbm>>
      %dma_wait3A_147 = arith.constant 0 : i32
      %dma_wait3A_148 = tpu.memref_slice %arg2[%add3A_144, %dma_wait3A_147] : memref<16384x2048xf32, #tpu.memory_space<hbm>> -> memref<8x2048xf32, #tpu.memory_space<hbm>>
      tpu.wait_dma2 semaphore(%arg11 : memref<!tpu.dma_semaphore, #tpu.memory_space<semaphore_mem>>) src(%dma_wait3A_148 : memref<8x2048xf32, #tpu.memory_space<hbm>>) dst(%arg7 : memref<8x2048xf32, #tpu.memory_space<vmem>>)
      %gt3A_149 = arith.constant 0 : i32
      %gt3A_150 = arith.cmpi sgt, %scan3A_104, %gt3A_149 : i32
      %convert_element_type3A_151 = arith.extui %gt3A_150 : i1 to i32
      %cond3A_152 = arith.constant 0 : i32
      %cond3A_153 = arith.cmpi ne, %convert_element_type3A_151, %cond3A_152 : i32
      scf.if %cond3A_153 {
        %add3A_166 = arith.constant 1 : i32
        %add3A_167 = arith.addi %mul3A_106, %add3A_166 : i32
        %mul3A_168 = arith.constant 8 : i32
        %mul3A_169 = arith.muli %add3A_167, %mul3A_168 : i32
        %add3A_170 = arith.addi %mul3A_2, %mul3A_169 : i32
        %dma_wait3A_171 = arith.constant 0 : i32
        %dma_wait3A_172 = tpu.memref_slice %arg4[%add3A_170, %dma_wait3A_171] : memref<7168x2048xf32, #tpu.memory_space<hbm>> -> memref<8x2048xf32, #tpu.memory_space<hbm>>
        %dma_wait3A_173 = arith.constant 0 : i32
        %dma_wait3A_174 = tpu.memref_slice %arg4[%add3A_170, %dma_wait3A_173] : memref<7168x2048xf32, #tpu.memory_space<hbm>> -> memref<8x2048xf32, #tpu.memory_space<hbm>>
        tpu.wait_dma2 semaphore(%arg13 : memref<!tpu.dma_semaphore, #tpu.memory_space<semaphore_mem>>) src(%arg9 : memref<8x2048xf32, #tpu.memory_space<vmem>>) dst(%dma_wait3A_174 : memref<8x2048xf32, #tpu.memory_space<hbm>>)
      } else {
      }
      %parallel_loop3A_154 = arith.constant 0 : i32
      %parallel_loop3A_155 = arith.constant 128 : i32
      %parallel_loop3A_156 = arith.constant 1 : i32
      scf.for %parallel_loop3A_166 = %parallel_loop3A_154 to %parallel_loop3A_155 step %parallel_loop3A_156  : i32 {
        %parallel_loop3A_167 = arith.constant 3 : i32
        %parallel_loop3A_168 = arith.shrsi %parallel_loop3A_166, %parallel_loop3A_167 : i32
        %parallel_loop3A_169 = arith.constant 7 : i32
        %parallel_loop3A_170 = arith.andi %parallel_loop3A_166, %parallel_loop3A_169 : i32
        %parallel_loop3A_171 = arith.constant 128 : i32
        %parallel_loop3A_172 = arith.muli %parallel_loop3A_168, %parallel_loop3A_171 : i32
        %parallel_loop3A_173 = arith.constant 0 : i32
        %parallel_loop3A_174 = arith.addi %parallel_loop3A_172, %parallel_loop3A_173 : i32
        %parallel_loop3A_175 = arith.index_cast %parallel_loop3A_170 : i32 to index
        %parallel_loop3A_176 = arith.index_cast %parallel_loop3A_174 : i32 to index
        %parallel_loop3A_177 = tpu.vector_load %arg7[%parallel_loop3A_175, %parallel_loop3A_176] {strides = array<i32>} : memref<8x2048xf32, #tpu.memory_space<vmem>>, vector<16xf32>,
        %parallel_loop3A_178 = arith.cmpf olt, %gather3A_82, %parallel_loop3A_177 : vector<16xf32>
        %parallel_loop3A_179 = arith.constant 8 : i32
        %parallel_loop3A_180 = arith.constant 0 : i32
        %parallel_loop3A_181 = vector.broadcast %parallel_loop3A_179 : i32 to vector<16xi32>
        %parallel_loop3A_182 = vector.broadcast %parallel_loop3A_180 : i32 to vector<16xi32>
        %parallel_loop3A_183 = arith.select %parallel_loop3A_178, %parallel_loop3A_181, %parallel_loop3A_182 : vector<16xi1>, vector<16xi32>
        %parallel_loop3A_184 = arith.constant 3 : i32
        %parallel_loop3A_185 = vector.broadcast %parallel_loop3A_184 : i32 to vector<16xi32>
        %parallel_loop3A_186 = arith.addi %parallel_loop3A_183, %parallel_loop3A_185 : vector<16xi32>
        %parallel_loop3A_187 = vector.shape_cast %parallel_loop3A_186 : vector<16xi32> to vector<16x1xi32>
        %parallel_loop3A_188 = vector.shape_cast %parallel_loop3A_187 : vector<16x1xi32> to vector<16xi32>
        %parallel_loop3A_189 = tpu.dynamic_gather %sub3A_77[%parallel_loop3A_188] in [0] : vector<16xf32>, vector<16xi32> -> vector<16xf32>
        %parallel_loop3A_190 = arith.cmpf olt, %parallel_loop3A_189, %parallel_loop3A_177 : vector<16xf32>
        %parallel_loop3A_191 = arith.constant 4 : i32
        %parallel_loop3A_192 = arith.constant 0 : i32
        %parallel_loop3A_193 = vector.broadcast %parallel_loop3A_191 : i32 to vector<16xi32>
        %parallel_loop3A_194 = vector.broadcast %parallel_loop3A_192 : i32 to vector<16xi32>
        %parallel_loop3A_195 = arith.select %parallel_loop3A_190, %parallel_loop3A_193, %parallel_loop3A_194 : vector<16xi1>, vector<16xi32>
        %parallel_loop3A_196 = arith.addi %parallel_loop3A_183, %parallel_loop3A_195 : vector<16xi32>
        %parallel_loop3A_197 = arith.constant 1 : i32
        %parallel_loop3A_198 = vector.broadcast %parallel_loop3A_197 : i32 to vector<16xi32>
        %parallel_loop3A_199 = arith.addi %parallel_loop3A_196, %parallel_loop3A_198 : vector<16xi32>
        %parallel_loop3A_200 = vector.shape_cast %parallel_loop3A_199 : vector<16xi32> to vector<16x1xi32>
        %parallel_loop3A_201 = vector.shape_cast %parallel_loop3A_200 : vector<16x1xi32> to vector<16xi32>
        %parallel_loop3A_202 = tpu.dynamic_gather %sub3A_77[%parallel_loop3A_201] in [0] : vector<16xf32>, vector<16xi32> -> vector<16xf32>
        %parallel_loop3A_203 = arith.cmpf olt, %parallel_loop3A_202, %parallel_loop3A_177 : vector<16xf32>
        %parallel_loop3A_204 = arith.constant 2 : i32
        %parallel_loop3A_205 = arith.constant 0 : i32
        %parallel_loop3A_206 = vector.broadcast %parallel_loop3A_204 : i32 to vector<16xi32>
        %parallel_loop3A_207 = vector.broadcast %parallel_loop3A_205 : i32 to vector<16xi32>
        %parallel_loop3A_208 = arith.select %parallel_loop3A_203, %parallel_loop3A_206, %parallel_loop3A_207 : vector<16xi1>, vector<16xi32>
        %parallel_loop3A_209 = arith.addi %parallel_loop3A_196, %parallel_loop3A_208 : vector<16xi32>
        %parallel_loop3A_210 = arith.constant 0 : i32
        %parallel_loop3A_211 = vector.broadcast %parallel_loop3A_210 : i32 to vector<16xi32>
        %parallel_loop3A_212 = arith.addi %parallel_loop3A_209, %parallel_loop3A_211 : vector<16xi32>
        %parallel_loop3A_213 = vector.shape_cast %parallel_loop3A_212 : vector<16xi32> to vector<16x1xi32>
        %parallel_loop3A_214 = vector.shape_cast %parallel_loop3A_213 : vector<16x1xi32> to vector<16xi32>
        %parallel_loop3A_215 = tpu.dynamic_gather %sub3A_77[%parallel_loop3A_214] in [0] : vector<16xf32>, vector<16xi32> -> vector<16xf32>
        %parallel_loop3A_216 = arith.cmpf olt, %parallel_loop3A_215, %parallel_loop3A_177 : vector<16xf32>
        %parallel_loop3A_217 = arith.constant 1 : i32
        %parallel_loop3A_218 = arith.constant 0 : i32
        %parallel_loop3A_219 = vector.broadcast %parallel_loop3A_217 : i32 to vector<16xi32>
        %parallel_loop3A_220 = vector.broadcast %parallel_loop3A_218 : i32 to vector<16xi32>
        %parallel_loop3A_221 = arith.select %parallel_loop3A_216, %parallel_loop3A_219, %parallel_loop3A_220 : vector<16xi1>, vector<16xi32>
        %parallel_loop3A_222 = arith.addi %parallel_loop3A_209, %parallel_loop3A_221 : vector<16xi32>
        %parallel_loop3A_223 = vector.shape_cast %parallel_loop3A_222 : vector<16xi32> to vector<16x1xi32>
        %parallel_loop3A_224 = vector.shape_cast %parallel_loop3A_223 : vector<16x1xi32> to vector<16xi32>
        %parallel_loop3A_225 = tpu.dynamic_gather %select_n3A_73[%parallel_loop3A_224] in [0] : vector<16xf32>, vector<16xi32> -> vector<16xf32>
        %parallel_loop3A_226 = arith.constant 0 : i32
        %parallel_loop3A_227 = arith.addi %parallel_loop3A_172, %parallel_loop3A_226 : i32
        %parallel_loop3A_228 = arith.index_cast %parallel_loop3A_170 : i32 to index
        %parallel_loop3A_229 = arith.index_cast %parallel_loop3A_227 : i32 to index
        %parallel_loop3A_230 = tpu.vector_load %arg9[%parallel_loop3A_228, %parallel_loop3A_229] {strides = array<i32>} : memref<8x2048xf32, #tpu.memory_space<vmem>>, vector<16xf32>,
        tpu.vector_store %arg9[%parallel_loop3A_228, %parallel_loop3A_229], %parallel_loop3A_225 {strides = array<i32>} : memref<8x2048xf32, #tpu.memory_space<vmem>>, vector<16xf32>,
        %parallel_loop3A_231 = arith.constant 16 : i32
        %parallel_loop3A_232 = arith.addi %parallel_loop3A_172, %parallel_loop3A_231 : i32
        %parallel_loop3A_233 = arith.index_cast %parallel_loop3A_170 : i32 to index
        %parallel_loop3A_234 = arith.index_cast %parallel_loop3A_232 : i32 to index
        %parallel_loop3A_235 = tpu.vector_load %arg7[%parallel_loop3A_233, %parallel_loop3A_234] {strides = array<i32>} : memref<8x2048xf32, #tpu.memory_space<vmem>>, vector<16xf32>,
        %parallel_loop3A_236 = arith.cmpf olt, %gather3A_82, %parallel_loop3A_235 : vector<16xf32>
        %parallel_loop3A_237 = arith.constant 8 : i32
        %parallel_loop3A_238 = arith.constant 0 : i32
        %parallel_loop3A_239 = vector.broadcast %parallel_loop3A_237 : i32 to vector<16xi32>
        %parallel_loop3A_240 = vector.broadcast %parallel_loop3A_238 : i32 to vector<16xi32>
        %parallel_loop3A_241 = arith.select %parallel_loop3A_236, %parallel_loop3A_239, %parallel_loop3A_240 : vector<16xi1>, vector<16xi32>
        %parallel_loop3A_242 = arith.constant 3 : i32
        %parallel_loop3A_243 = vector.broadcast %parallel_loop3A_242 : i32 to vector<16xi32>
        %parallel_loop3A_244 = arith.addi %parallel_loop3A_241, %parallel_loop3A_243 : vector<16xi32>
        %parallel_loop3A_245 = vector.shape_cast %parallel_loop3A_244 : vector<16xi32> to vector<16x1xi32>
        %parallel_loop3A_246 = vector.shape_cast %parallel_loop3A_245 : vector<16x1xi32> to vector<16xi32>
        %parallel_loop3A_247 = tpu.dynamic_gather %sub3A_77[%parallel_loop3A_246] in [0] : vector<16xf32>, vector<16xi32> -> vector<16xf32>
        %parallel_loop3A_248 = arith.cmpf olt, %parallel_loop3A_247, %parallel_loop3A_235 : vector<16xf32>
        %parallel_loop3A_249 = arith.constant 4 : i32
        %parallel_loop3A_250 = arith.constant 0 : i32
        %parallel_loop3A_251 = vector.broadcast %parallel_loop3A_249 : i32 to vector<16xi32>
        %parallel_loop3A_252 = vector.broadcast %parallel_loop3A_250 : i32 to vector<16xi32>
        %parallel_loop3A_253 = arith.select %parallel_loop3A_248, %parallel_loop3A_251, %parallel_loop3A_252 : vector<16xi1>, vector<16xi32>
        %parallel_loop3A_254 = arith.addi %parallel_loop3A_241, %parallel_loop3A_253 : vector<16xi32>
        %parallel_loop3A_255 = arith.constant 1 : i32
        %parallel_loop3A_256 = vector.broadcast %parallel_loop3A_255 : i32 to vector<16xi32>
        %parallel_loop3A_257 = arith.addi %parallel_loop3A_254, %parallel_loop3A_256 : vector<16xi32>
        %parallel_loop3A_258 = vector.shape_cast %parallel_loop3A_257 : vector<16xi32> to vector<16x1xi32>
        %parallel_loop3A_259 = vector.shape_cast %parallel_loop3A_258 : vector<16x1xi32> to vector<16xi32>
        %parallel_loop3A_260 = tpu.dynamic_gather %sub3A_77[%parallel_loop3A_259] in [0] : vector<16xf32>, vector<16xi32> -> vector<16xf32>
        %parallel_loop3A_261 = arith.cmpf olt, %parallel_loop3A_260, %parallel_loop3A_235 : vector<16xf32>
        %parallel_loop3A_262 = arith.constant 2 : i32
        %parallel_loop3A_263 = arith.constant 0 : i32
        %parallel_loop3A_264 = vector.broadcast %parallel_loop3A_262 : i32 to vector<16xi32>
        %parallel_loop3A_265 = vector.broadcast %parallel_loop3A_263 : i32 to vector<16xi32>
        %parallel_loop3A_266 = arith.select %parallel_loop3A_261, %parallel_loop3A_264, %parallel_loop3A_265 : vector<16xi1>, vector<16xi32>
        %parallel_loop3A_267 = arith.addi %parallel_loop3A_254, %parallel_loop3A_266 : vector<16xi32>
        %parallel_loop3A_268 = arith.constant 0 : i32
        %parallel_loop3A_269 = vector.broadcast %parallel_loop3A_268 : i32 to vector<16xi32>
        %parallel_loop3A_270 = arith.addi %parallel_loop3A_267, %parallel_loop3A_269 : vector<16xi32>
        %parallel_loop3A_271 = vector.shape_cast %parallel_loop3A_270 : vector<16xi32> to vector<16x1xi32>
        %parallel_loop3A_272 = vector.shape_cast %parallel_loop3A_271 : vector<16x1xi32> to vector<16xi32>
        %parallel_loop3A_273 = tpu.dynamic_gather %sub3A_77[%parallel_loop3A_272] in [0] : vector<16xf32>, vector<16xi32> -> vector<16xf32>
        %parallel_loop3A_274 = arith.cmpf olt, %parallel_loop3A_273, %parallel_loop3A_235 : vector<16xf32>
        %parallel_loop3A_275 = arith.constant 1 : i32
        %parallel_loop3A_276 = arith.constant 0 : i32
        %parallel_loop3A_277 = vector.broadcast %parallel_loop3A_275 : i32 to vector<16xi32>
        %parallel_loop3A_278 = vector.broadcast %parallel_loop3A_276 : i32 to vector<16xi32>
        %parallel_loop3A_279 = arith.select %parallel_loop3A_274, %parallel_loop3A_277, %parallel_loop3A_278 : vector<16xi1>, vector<16xi32>
        %parallel_loop3A_280 = arith.addi %parallel_loop3A_267, %parallel_loop3A_279 : vector<16xi32>
        %parallel_loop3A_281 = vector.shape_cast %parallel_loop3A_280 : vector<16xi32> to vector<16x1xi32>
        %parallel_loop3A_282 = vector.shape_cast %parallel_loop3A_281 : vector<16x1xi32> to vector<16xi32>
        %parallel_loop3A_283 = tpu.dynamic_gather %select_n3A_73[%parallel_loop3A_282] in [0] : vector<16xf32>, vector<16xi32> -> vector<16xf32>
        %parallel_loop3A_284 = arith.constant 16 : i32
        %parallel_loop3A_285 = arith.addi %parallel_loop3A_172, %parallel_loop3A_284 : i32
        %parallel_loop3A_286 = arith.index_cast %parallel_loop3A_170 : i32 to index
        %parallel_loop3A_287 = arith.index_cast %parallel_loop3A_285 : i32 to index
        %parallel_loop3A_288 = tpu.vector_load %arg9[%parallel_loop3A_286, %parallel_loop3A_287] {strides = array<i32>} : memref<8x2048xf32, #tpu.memory_space<vmem>>, vector<16xf32>,
        tpu.vector_store %arg9[%parallel_loop3A_286, %parallel_loop3A_287], %parallel_loop3A_283 {strides = array<i32>} : memref<8x2048xf32, #tpu.memory_space<vmem>>, vector<16xf32>,
        %parallel_loop3A_289 = arith.constant 32 : i32
        %parallel_loop3A_290 = arith.addi %parallel_loop3A_172, %parallel_loop3A_289 : i32
        %parallel_loop3A_291 = arith.index_cast %parallel_loop3A_170 : i32 to index
        %parallel_loop3A_292 = arith.index_cast %parallel_loop3A_290 : i32 to index
        %parallel_loop3A_293 = tpu.vector_load %arg7[%parallel_loop3A_291, %parallel_loop3A_292] {strides = array<i32>} : memref<8x2048xf32, #tpu.memory_space<vmem>>, vector<16xf32>,
        %parallel_loop3A_294 = arith.cmpf olt, %gather3A_82, %parallel_loop3A_293 : vector<16xf32>
        %parallel_loop3A_295 = arith.constant 8 : i32
        %parallel_loop3A_296 = arith.constant 0 : i32
        %parallel_loop3A_297 = vector.broadcast %parallel_loop3A_295 : i32 to vector<16xi32>
        %parallel_loop3A_298 = vector.broadcast %parallel_loop3A_296 : i32 to vector<16xi32>
        %parallel_loop3A_299 = arith.select %parallel_loop3A_294, %parallel_loop3A_297, %parallel_loop3A_298 : vector<16xi1>, vector<16xi32>
        %parallel_loop3A_300 = arith.constant 3 : i32
        %parallel_loop3A_301 = vector.broadcast %parallel_loop3A_300 : i32 to vector<16xi32>
        %parallel_loop3A_302 = arith.addi %parallel_loop3A_299, %parallel_loop3A_301 : vector<16xi32>
        %parallel_loop3A_303 = vector.shape_cast %parallel_loop3A_302 : vector<16xi32> to vector<16x1xi32>
        %parallel_loop3A_304 = vector.shape_cast %parallel_loop3A_303 : vector<16x1xi32> to vector<16xi32>
        %parallel_loop3A_305 = tpu.dynamic_gather %sub3A_77[%parallel_loop3A_304] in [0] : vector<16xf32>, vector<16xi32> -> vector<16xf32>
        %parallel_loop3A_306 = arith.cmpf olt, %parallel_loop3A_305, %parallel_loop3A_293 : vector<16xf32>
        %parallel_loop3A_307 = arith.constant 4 : i32
        %parallel_loop3A_308 = arith.constant 0 : i32
        %parallel_loop3A_309 = vector.broadcast %parallel_loop3A_307 : i32 to vector<16xi32>
        %parallel_loop3A_310 = vector.broadcast %parallel_loop3A_308 : i32 to vector<16xi32>
        %parallel_loop3A_311 = arith.select %parallel_loop3A_306, %parallel_loop3A_309, %parallel_loop3A_310 : vector<16xi1>, vector<16xi32>
        %parallel_loop3A_312 = arith.addi %parallel_loop3A_299, %parallel_loop3A_311 : vector<16xi32>
        %parallel_loop3A_313 = arith.constant 1 : i32
        %parallel_loop3A_314 = vector.broadcast %parallel_loop3A_313 : i32 to vector<16xi32>
        %parallel_loop3A_315 = arith.addi %parallel_loop3A_312, %parallel_loop3A_314 : vector<16xi32>
        %parallel_loop3A_316 = vector.shape_cast %parallel_loop3A_315 : vector<16xi32> to vector<16x1xi32>
        %parallel_loop3A_317 = vector.shape_cast %parallel_loop3A_316 : vector<16x1xi32> to vector<16xi32>
        %parallel_loop3A_318 = tpu.dynamic_gather %sub3A_77[%parallel_loop3A_317] in [0] : vector<16xf32>, vector<16xi32> -> vector<16xf32>
        %parallel_loop3A_319 = arith.cmpf olt, %parallel_loop3A_318, %parallel_loop3A_293 : vector<16xf32>
        %parallel_loop3A_320 = arith.constant 2 : i32
        %parallel_loop3A_321 = arith.constant 0 : i32
        %parallel_loop3A_322 = vector.broadcast %parallel_loop3A_320 : i32 to vector<16xi32>
        %parallel_loop3A_323 = vector.broadcast %parallel_loop3A_321 : i32 to vector<16xi32>
        %parallel_loop3A_324 = arith.select %parallel_loop3A_319, %parallel_loop3A_322, %parallel_loop3A_323 : vector<16xi1>, vector<16xi32>
        %parallel_loop3A_325 = arith.addi %parallel_loop3A_312, %parallel_loop3A_324 : vector<16xi32>
        %parallel_loop3A_326 = arith.constant 0 : i32
        %parallel_loop3A_327 = vector.broadcast %parallel_loop3A_326 : i32 to vector<16xi32>
        %parallel_loop3A_328 = arith.addi %parallel_loop3A_325, %parallel_loop3A_327 : vector<16xi32>
        %parallel_loop3A_329 = vector.shape_cast %parallel_loop3A_328 : vector<16xi32> to vector<16x1xi32>
        %parallel_loop3A_330 = vector.shape_cast %parallel_loop3A_329 : vector<16x1xi32> to vector<16xi32>
        %parallel_loop3A_331 = tpu.dynamic_gather %sub3A_77[%parallel_loop3A_330] in [0] : vector<16xf32>, vector<16xi32> -> vector<16xf32>
        %parallel_loop3A_332 = arith.cmpf olt, %parallel_loop3A_331, %parallel_loop3A_293 : vector<16xf32>
        %parallel_loop3A_333 = arith.constant 1 : i32
        %parallel_loop3A_334 = arith.constant 0 : i32
        %parallel_loop3A_335 = vector.broadcast %parallel_loop3A_333 : i32 to vector<16xi32>
        %parallel_loop3A_336 = vector.broadcast %parallel_loop3A_334 : i32 to vector<16xi32>
        %parallel_loop3A_337 = arith.select %parallel_loop3A_332, %parallel_loop3A_335, %parallel_loop3A_336 : vector<16xi1>, vector<16xi32>
        %parallel_loop3A_338 = arith.addi %parallel_loop3A_325, %parallel_loop3A_337 : vector<16xi32>
        %parallel_loop3A_339 = vector.shape_cast %parallel_loop3A_338 : vector<16xi32> to vector<16x1xi32>
        %parallel_loop3A_340 = vector.shape_cast %parallel_loop3A_339 : vector<16x1xi32> to vector<16xi32>
        %parallel_loop3A_341 = tpu.dynamic_gather %select_n3A_73[%parallel_loop3A_340] in [0] : vector<16xf32>, vector<16xi32> -> vector<16xf32>
        %parallel_loop3A_342 = arith.constant 32 : i32
        %parallel_loop3A_343 = arith.addi %parallel_loop3A_172, %parallel_loop3A_342 : i32
        %parallel_loop3A_344 = arith.index_cast %parallel_loop3A_170 : i32 to index
        %parallel_loop3A_345 = arith.index_cast %parallel_loop3A_343 : i32 to index
        %parallel_loop3A_346 = tpu.vector_load %arg9[%parallel_loop3A_344, %parallel_loop3A_345] {strides = array<i32>} : memref<8x2048xf32, #tpu.memory_space<vmem>>, vector<16xf32>,
        tpu.vector_store %arg9[%parallel_loop3A_344, %parallel_loop3A_345], %parallel_loop3A_341 {strides = array<i32>} : memref<8x2048xf32, #tpu.memory_space<vmem>>, vector<16xf32>,
        %parallel_loop3A_347 = arith.constant 48 : i32
        %parallel_loop3A_348 = arith.addi %parallel_loop3A_172, %parallel_loop3A_347 : i32
        %parallel_loop3A_349 = arith.index_cast %parallel_loop3A_170 : i32 to index
        %parallel_loop3A_350 = arith.index_cast %parallel_loop3A_348 : i32 to index
        %parallel_loop3A_351 = tpu.vector_load %arg7[%parallel_loop3A_349, %parallel_loop3A_350] {strides = array<i32>} : memref<8x2048xf32, #tpu.memory_space<vmem>>, vector<16xf32>,
        %parallel_loop3A_352 = arith.cmpf olt, %gather3A_82, %parallel_loop3A_351 : vector<16xf32>
        %parallel_loop3A_353 = arith.constant 8 : i32
        %parallel_loop3A_354 = arith.constant 0 : i32
        %parallel_loop3A_355 = vector.broadcast %parallel_loop3A_353 : i32 to vector<16xi32>
        %parallel_loop3A_356 = vector.broadcast %parallel_loop3A_354 : i32 to vector<16xi32>
        %parallel_loop3A_357 = arith.select %parallel_loop3A_352, %parallel_loop3A_355, %parallel_loop3A_356 : vector<16xi1>, vector<16xi32>
        %parallel_loop3A_358 = arith.constant 3 : i32
        %parallel_loop3A_359 = vector.broadcast %parallel_loop3A_358 : i32 to vector<16xi32>
        %parallel_loop3A_360 = arith.addi %parallel_loop3A_357, %parallel_loop3A_359 : vector<16xi32>
        %parallel_loop3A_361 = vector.shape_cast %parallel_loop3A_360 : vector<16xi32> to vector<16x1xi32>
        %parallel_loop3A_362 = vector.shape_cast %parallel_loop3A_361 : vector<16x1xi32> to vector<16xi32>
        %parallel_loop3A_363 = tpu.dynamic_gather %sub3A_77[%parallel_loop3A_362] in [0] : vector<16xf32>, vector<16xi32> -> vector<16xf32>
        %parallel_loop3A_364 = arith.cmpf olt, %parallel_loop3A_363, %parallel_loop3A_351 : vector<16xf32>
        %parallel_loop3A_365 = arith.constant 4 : i32
        %parallel_loop3A_366 = arith.constant 0 : i32
        %parallel_loop3A_367 = vector.broadcast %parallel_loop3A_365 : i32 to vector<16xi32>
        %parallel_loop3A_368 = vector.broadcast %parallel_loop3A_366 : i32 to vector<16xi32>
        %parallel_loop3A_369 = arith.select %parallel_loop3A_364, %parallel_loop3A_367, %parallel_loop3A_368 : vector<16xi1>, vector<16xi32>
        %parallel_loop3A_370 = arith.addi %parallel_loop3A_357, %parallel_loop3A_369 : vector<16xi32>
        %parallel_loop3A_371 = arith.constant 1 : i32
        %parallel_loop3A_372 = vector.broadcast %parallel_loop3A_371 : i32 to vector<16xi32>
        %parallel_loop3A_373 = arith.addi %parallel_loop3A_370, %parallel_loop3A_372 : vector<16xi32>
        %parallel_loop3A_374 = vector.shape_cast %parallel_loop3A_373 : vector<16xi32> to vector<16x1xi32>
        %parallel_loop3A_375 = vector.shape_cast %parallel_loop3A_374 : vector<16x1xi32> to vector<16xi32>
        %parallel_loop3A_376 = tpu.dynamic_gather %sub3A_77[%parallel_loop3A_375] in [0] : vector<16xf32>, vector<16xi32> -> vector<16xf32>
        %parallel_loop3A_377 = arith.cmpf olt, %parallel_loop3A_376, %parallel_loop3A_351 : vector<16xf32>
        %parallel_loop3A_378 = arith.constant 2 : i32
        %parallel_loop3A_379 = arith.constant 0 : i32
        %parallel_loop3A_380 = vector.broadcast %parallel_loop3A_378 : i32 to vector<16xi32>
        %parallel_loop3A_381 = vector.broadcast %parallel_loop3A_379 : i32 to vector<16xi32>
        %parallel_loop3A_382 = arith.select %parallel_loop3A_377, %parallel_loop3A_380, %parallel_loop3A_381 : vector<16xi1>, vector<16xi32>
        %parallel_loop3A_383 = arith.addi %parallel_loop3A_370, %parallel_loop3A_382 : vector<16xi32>
        %parallel_loop3A_384 = arith.constant 0 : i32
        %parallel_loop3A_385 = vector.broadcast %parallel_loop3A_384 : i32 to vector<16xi32>
        %parallel_loop3A_386 = arith.addi %parallel_loop3A_383, %parallel_loop3A_385 : vector<16xi32>
        %parallel_loop3A_387 = vector.shape_cast %parallel_loop3A_386 : vector<16xi32> to vector<16x1xi32>
        %parallel_loop3A_388 = vector.shape_cast %parallel_loop3A_387 : vector<16x1xi32> to vector<16xi32>
        %parallel_loop3A_389 = tpu.dynamic_gather %sub3A_77[%parallel_loop3A_388] in [0] : vector<16xf32>, vector<16xi32> -> vector<16xf32>
        %parallel_loop3A_390 = arith.cmpf olt, %parallel_loop3A_389, %parallel_loop3A_351 : vector<16xf32>
        %parallel_loop3A_391 = arith.constant 1 : i32
        %parallel_loop3A_392 = arith.constant 0 : i32
        %parallel_loop3A_393 = vector.broadcast %parallel_loop3A_391 : i32 to vector<16xi32>
        %parallel_loop3A_394 = vector.broadcast %parallel_loop3A_392 : i32 to vector<16xi32>
        %parallel_loop3A_395 = arith.select %parallel_loop3A_390, %parallel_loop3A_393, %parallel_loop3A_394 : vector<16xi1>, vector<16xi32>
        %parallel_loop3A_396 = arith.addi %parallel_loop3A_383, %parallel_loop3A_395 : vector<16xi32>
        %parallel_loop3A_397 = vector.shape_cast %parallel_loop3A_396 : vector<16xi32> to vector<16x1xi32>
        %parallel_loop3A_398 = vector.shape_cast %parallel_loop3A_397 : vector<16x1xi32> to vector<16xi32>
        %parallel_loop3A_399 = tpu.dynamic_gather %select_n3A_73[%parallel_loop3A_398] in [0] : vector<16xf32>, vector<16xi32> -> vector<16xf32>
        %parallel_loop3A_400 = arith.constant 48 : i32
        %parallel_loop3A_401 = arith.addi %parallel_loop3A_172, %parallel_loop3A_400 : i32
        %parallel_loop3A_402 = arith.index_cast %parallel_loop3A_170 : i32 to index
        %parallel_loop3A_403 = arith.index_cast %parallel_loop3A_401 : i32 to index
        %parallel_loop3A_404 = tpu.vector_load %arg9[%parallel_loop3A_402, %parallel_loop3A_403] {strides = array<i32>} : memref<8x2048xf32, #tpu.memory_space<vmem>>, vector<16xf32>,
        tpu.vector_store %arg9[%parallel_loop3A_402, %parallel_loop3A_403], %parallel_loop3A_399 {strides = array<i32>} : memref<8x2048xf32, #tpu.memory_space<vmem>>, vector<16xf32>,
        %parallel_loop3A_405 = arith.constant 64 : i32
        %parallel_loop3A_406 = arith.addi %parallel_loop3A_172, %parallel_loop3A_405 : i32
        %parallel_loop3A_407 = arith.index_cast %parallel_loop3A_170 : i32 to index
        %parallel_loop3A_408 = arith.index_cast %parallel_loop3A_406 : i32 to index
        %parallel_loop3A_409 = tpu.vector_load %arg7[%parallel_loop3A_407, %parallel_loop3A_408] {strides = array<i32>} : memref<8x2048xf32, #tpu.memory_space<vmem>>, vector<16xf32>,
        %parallel_loop3A_410 = arith.cmpf olt, %gather3A_82, %parallel_loop3A_409 : vector<16xf32>
        %parallel_loop3A_411 = arith.constant 8 : i32
        %parallel_loop3A_412 = arith.constant 0 : i32
        %parallel_loop3A_413 = vector.broadcast %parallel_loop3A_411 : i32 to vector<16xi32>
        %parallel_loop3A_414 = vector.broadcast %parallel_loop3A_412 : i32 to vector<16xi32>
        %parallel_loop3A_415 = arith.select %parallel_loop3A_410, %parallel_loop3A_413, %parallel_loop3A_414 : vector<16xi1>, vector<16xi32>
        %parallel_loop3A_416 = arith.constant 3 : i32
        %parallel_loop3A_417 = vector.broadcast %parallel_loop3A_416 : i32 to vector<16xi32>
        %parallel_loop3A_418 = arith.addi %parallel_loop3A_415, %parallel_loop3A_417 : vector<16xi32>
        %parallel_loop3A_419 = vector.shape_cast %parallel_loop3A_418 : vector<16xi32> to vector<16x1xi32>
        %parallel_loop3A_420 = vector.shape_cast %parallel_loop3A_419 : vector<16x1xi32> to vector<16xi32>
        %parallel_loop3A_421 = tpu.dynamic_gather %sub3A_77[%parallel_loop3A_420] in [0] : vector<16xf32>, vector<16xi32> -> vector<16xf32>
        %parallel_loop3A_422 = arith.cmpf olt, %parallel_loop3A_421, %parallel_loop3A_409 : vector<16xf32>
        %parallel_loop3A_423 = arith.constant 4 : i32
        %parallel_loop3A_424 = arith.constant 0 : i32
        %parallel_loop3A_425 = vector.broadcast %parallel_loop3A_423 : i32 to vector<16xi32>
        %parallel_loop3A_426 = vector.broadcast %parallel_loop3A_424 : i32 to vector<16xi32>
        %parallel_loop3A_427 = arith.select %parallel_loop3A_422, %parallel_loop3A_425, %parallel_loop3A_426 : vector<16xi1>, vector<16xi32>
        %parallel_loop3A_428 = arith.addi %parallel_loop3A_415, %parallel_loop3A_427 : vector<16xi32>
        %parallel_loop3A_429 = arith.constant 1 : i32
        %parallel_loop3A_430 = vector.broadcast %parallel_loop3A_429 : i32 to vector<16xi32>
        %parallel_loop3A_431 = arith.addi %parallel_loop3A_428, %parallel_loop3A_430 : vector<16xi32>
        %parallel_loop3A_432 = vector.shape_cast %parallel_loop3A_431 : vector<16xi32> to vector<16x1xi32>
        %parallel_loop3A_433 = vector.shape_cast %parallel_loop3A_432 : vector<16x1xi32> to vector<16xi32>
        %parallel_loop3A_434 = tpu.dynamic_gather %sub3A_77[%parallel_loop3A_433] in [0] : vector<16xf32>, vector<16xi32> -> vector<16xf32>
        %parallel_loop3A_435 = arith.cmpf olt, %parallel_loop3A_434, %parallel_loop3A_409 : vector<16xf32>
        %parallel_loop3A_436 = arith.constant 2 : i32
        %parallel_loop3A_437 = arith.constant 0 : i32
        %parallel_loop3A_438 = vector.broadcast %parallel_loop3A_436 : i32 to vector<16xi32>
        %parallel_loop3A_439 = vector.broadcast %parallel_loop3A_437 : i32 to vector<16xi32>
        %parallel_loop3A_440 = arith.select %parallel_loop3A_435, %parallel_loop3A_438, %parallel_loop3A_439 : vector<16xi1>, vector<16xi32>
        %parallel_loop3A_441 = arith.addi %parallel_loop3A_428, %parallel_loop3A_440 : vector<16xi32>
        %parallel_loop3A_442 = arith.constant 0 : i32
        %parallel_loop3A_443 = vector.broadcast %parallel_loop3A_442 : i32 to vector<16xi32>
        %parallel_loop3A_444 = arith.addi %parallel_loop3A_441, %parallel_loop3A_443 : vector<16xi32>
        %parallel_loop3A_445 = vector.shape_cast %parallel_loop3A_444 : vector<16xi32> to vector<16x1xi32>
        %parallel_loop3A_446 = vector.shape_cast %parallel_loop3A_445 : vector<16x1xi32> to vector<16xi32>
        %parallel_loop3A_447 = tpu.dynamic_gather %sub3A_77[%parallel_loop3A_446] in [0] : vector<16xf32>, vector<16xi32> -> vector<16xf32>
        %parallel_loop3A_448 = arith.cmpf olt, %parallel_loop3A_447, %parallel_loop3A_409 : vector<16xf32>
        %parallel_loop3A_449 = arith.constant 1 : i32
        %parallel_loop3A_450 = arith.constant 0 : i32
        %parallel_loop3A_451 = vector.broadcast %parallel_loop3A_449 : i32 to vector<16xi32>
        %parallel_loop3A_452 = vector.broadcast %parallel_loop3A_450 : i32 to vector<16xi32>
        %parallel_loop3A_453 = arith.select %parallel_loop3A_448, %parallel_loop3A_451, %parallel_loop3A_452 : vector<16xi1>, vector<16xi32>
        %parallel_loop3A_454 = arith.addi %parallel_loop3A_441, %parallel_loop3A_453 : vector<16xi32>
        %parallel_loop3A_455 = vector.shape_cast %parallel_loop3A_454 : vector<16xi32> to vector<16x1xi32>
        %parallel_loop3A_456 = vector.shape_cast %parallel_loop3A_455 : vector<16x1xi32> to vector<16xi32>
        %parallel_loop3A_457 = tpu.dynamic_gather %select_n3A_73[%parallel_loop3A_456] in [0] : vector<16xf32>, vector<16xi32> -> vector<16xf32>
        %parallel_loop3A_458 = arith.constant 64 : i32
        %parallel_loop3A_459 = arith.addi %parallel_loop3A_172, %parallel_loop3A_458 : i32
        %parallel_loop3A_460 = arith.index_cast %parallel_loop3A_170 : i32 to index
        %parallel_loop3A_461 = arith.index_cast %parallel_loop3A_459 : i32 to index
        %parallel_loop3A_462 = tpu.vector_load %arg9[%parallel_loop3A_460, %parallel_loop3A_461] {strides = array<i32>} : memref<8x2048xf32, #tpu.memory_space<vmem>>, vector<16xf32>,
        tpu.vector_store %arg9[%parallel_loop3A_460, %parallel_loop3A_461], %parallel_loop3A_457 {strides = array<i32>} : memref<8x2048xf32, #tpu.memory_space<vmem>>, vector<16xf32>,
        %parallel_loop3A_463 = arith.constant 80 : i32
        %parallel_loop3A_464 = arith.addi %parallel_loop3A_172, %parallel_loop3A_463 : i32
        %parallel_loop3A_465 = arith.index_cast %parallel_loop3A_170 : i32 to index
        %parallel_loop3A_466 = arith.index_cast %parallel_loop3A_464 : i32 to index
        %parallel_loop3A_467 = tpu.vector_load %arg7[%parallel_loop3A_465, %parallel_loop3A_466] {strides = array<i32>} : memref<8x2048xf32, #tpu.memory_space<vmem>>, vector<16xf32>,
        %parallel_loop3A_468 = arith.cmpf olt, %gather3A_82, %parallel_loop3A_467 : vector<16xf32>
        %parallel_loop3A_469 = arith.constant 8 : i32
        %parallel_loop3A_470 = arith.constant 0 : i32
        %parallel_loop3A_471 = vector.broadcast %parallel_loop3A_469 : i32 to vector<16xi32>
        %parallel_loop3A_472 = vector.broadcast %parallel_loop3A_470 : i32 to vector<16xi32>
        %parallel_loop3A_473 = arith.select %parallel_loop3A_468, %parallel_loop3A_471, %parallel_loop3A_472 : vector<16xi1>, vector<16xi32>
        %parallel_loop3A_474 = arith.constant 3 : i32
        %parallel_loop3A_475 = vector.broadcast %parallel_loop3A_474 : i32 to vector<16xi32>
        %parallel_loop3A_476 = arith.addi %parallel_loop3A_473, %parallel_loop3A_475 : vector<16xi32>
        %parallel_loop3A_477 = vector.shape_cast %parallel_loop3A_476 : vector<16xi32> to vector<16x1xi32>
        %parallel_loop3A_478 = vector.shape_cast %parallel_loop3A_477 : vector<16x1xi32> to vector<16xi32>
        %parallel_loop3A_479 = tpu.dynamic_gather %sub3A_77[%parallel_loop3A_478] in [0] : vector<16xf32>, vector<16xi32> -> vector<16xf32>
        %parallel_loop3A_480 = arith.cmpf olt, %parallel_loop3A_479, %parallel_loop3A_467 : vector<16xf32>
        %parallel_loop3A_481 = arith.constant 4 : i32
        %parallel_loop3A_482 = arith.constant 0 : i32
        %parallel_loop3A_483 = vector.broadcast %parallel_loop3A_481 : i32 to vector<16xi32>
        %parallel_loop3A_484 = vector.broadcast %parallel_loop3A_482 : i32 to vector<16xi32>
        %parallel_loop3A_485 = arith.select %parallel_loop3A_480, %parallel_loop3A_483, %parallel_loop3A_484 : vector<16xi1>, vector<16xi32>
        %parallel_loop3A_486 = arith.addi %parallel_loop3A_473, %parallel_loop3A_485 : vector<16xi32>
        %parallel_loop3A_487 = arith.constant 1 : i32
        %parallel_loop3A_488 = vector.broadcast %parallel_loop3A_487 : i32 to vector<16xi32>
        %parallel_loop3A_489 = arith.addi %parallel_loop3A_486, %parallel_loop3A_488 : vector<16xi32>
        %parallel_loop3A_490 = vector.shape_cast %parallel_loop3A_489 : vector<16xi32> to vector<16x1xi32>
        %parallel_loop3A_491 = vector.shape_cast %parallel_loop3A_490 : vector<16x1xi32> to vector<16xi32>
        %parallel_loop3A_492 = tpu.dynamic_gather %sub3A_77[%parallel_loop3A_491] in [0] : vector<16xf32>, vector<16xi32> -> vector<16xf32>
        %parallel_loop3A_493 = arith.cmpf olt, %parallel_loop3A_492, %parallel_loop3A_467 : vector<16xf32>
        %parallel_loop3A_494 = arith.constant 2 : i32
        %parallel_loop3A_495 = arith.constant 0 : i32
        %parallel_loop3A_496 = vector.broadcast %parallel_loop3A_494 : i32 to vector<16xi32>
        %parallel_loop3A_497 = vector.broadcast %parallel_loop3A_495 : i32 to vector<16xi32>
        %parallel_loop3A_498 = arith.select %parallel_loop3A_493, %parallel_loop3A_496, %parallel_loop3A_497 : vector<16xi1>, vector<16xi32>
        %parallel_loop3A_499 = arith.addi %parallel_loop3A_486, %parallel_loop3A_498 : vector<16xi32>
        %parallel_loop3A_500 = arith.constant 0 : i32
        %parallel_loop3A_501 = vector.broadcast %parallel_loop3A_500 : i32 to vector<16xi32>
        %parallel_loop3A_502 = arith.addi %parallel_loop3A_499, %parallel_loop3A_501 : vector<16xi32>
        %parallel_loop3A_503 = vector.shape_cast %parallel_loop3A_502 : vector<16xi32> to vector<16x1xi32>
        %parallel_loop3A_504 = vector.shape_cast %parallel_loop3A_503 : vector<16x1xi32> to vector<16xi32>
        %parallel_loop3A_505 = tpu.dynamic_gather %sub3A_77[%parallel_loop3A_504] in [0] : vector<16xf32>, vector<16xi32> -> vector<16xf32>
        %parallel_loop3A_506 = arith.cmpf olt, %parallel_loop3A_505, %parallel_loop3A_467 : vector<16xf32>
        %parallel_loop3A_507 = arith.constant 1 : i32
        %parallel_loop3A_508 = arith.constant 0 : i32
        %parallel_loop3A_509 = vector.broadcast %parallel_loop3A_507 : i32 to vector<16xi32>
        %parallel_loop3A_510 = vector.broadcast %parallel_loop3A_508 : i32 to vector<16xi32>
        %parallel_loop3A_511 = arith.select %parallel_loop3A_506, %parallel_loop3A_509, %parallel_loop3A_510 : vector<16xi1>, vector<16xi32>
        %parallel_loop3A_512 = arith.addi %parallel_loop3A_499, %parallel_loop3A_511 : vector<16xi32>
        %parallel_loop3A_513 = vector.shape_cast %parallel_loop3A_512 : vector<16xi32> to vector<16x1xi32>
        %parallel_loop3A_514 = vector.shape_cast %parallel_loop3A_513 : vector<16x1xi32> to vector<16xi32>
        %parallel_loop3A_515 = tpu.dynamic_gather %select_n3A_73[%parallel_loop3A_514] in [0] : vector<16xf32>, vector<16xi32> -> vector<16xf32>
        %parallel_loop3A_516 = arith.constant 80 : i32
        %parallel_loop3A_517 = arith.addi %parallel_loop3A_172, %parallel_loop3A_516 : i32
        %parallel_loop3A_518 = arith.index_cast %parallel_loop3A_170 : i32 to index
        %parallel_loop3A_519 = arith.index_cast %parallel_loop3A_517 : i32 to index
        %parallel_loop3A_520 = tpu.vector_load %arg9[%parallel_loop3A_518, %parallel_loop3A_519] {strides = array<i32>} : memref<8x2048xf32, #tpu.memory_space<vmem>>, vector<16xf32>,
        tpu.vector_store %arg9[%parallel_loop3A_518, %parallel_loop3A_519], %parallel_loop3A_515 {strides = array<i32>} : memref<8x2048xf32, #tpu.memory_space<vmem>>, vector<16xf32>,
        %parallel_loop3A_521 = arith.constant 96 : i32
        %parallel_loop3A_522 = arith.addi %parallel_loop3A_172, %parallel_loop3A_521 : i32
        %parallel_loop3A_523 = arith.index_cast %parallel_loop3A_170 : i32 to index
        %parallel_loop3A_524 = arith.index_cast %parallel_loop3A_522 : i32 to index
        %parallel_loop3A_525 = tpu.vector_load %arg7[%parallel_loop3A_523, %parallel_loop3A_524] {strides = array<i32>} : memref<8x2048xf32, #tpu.memory_space<vmem>>, vector<16xf32>,
        %parallel_loop3A_526 = arith.cmpf olt, %gather3A_82, %parallel_loop3A_525 : vector<16xf32>
        %parallel_loop3A_527 = arith.constant 8 : i32
        %parallel_loop3A_528 = arith.constant 0 : i32
        %parallel_loop3A_529 = vector.broadcast %parallel_loop3A_527 : i32 to vector<16xi32>
        %parallel_loop3A_530 = vector.broadcast %parallel_loop3A_528 : i32 to vector<16xi32>
        %parallel_loop3A_531 = arith.select %parallel_loop3A_526, %parallel_loop3A_529, %parallel_loop3A_530 : vector<16xi1>, vector<16xi32>
        %parallel_loop3A_532 = arith.constant 3 : i32
        %parallel_loop3A_533 = vector.broadcast %parallel_loop3A_532 : i32 to vector<16xi32>
        %parallel_loop3A_534 = arith.addi %parallel_loop3A_531, %parallel_loop3A_533 : vector<16xi32>
        %parallel_loop3A_535 = vector.shape_cast %parallel_loop3A_534 : vector<16xi32> to vector<16x1xi32>
        %parallel_loop3A_536 = vector.shape_cast %parallel_loop3A_535 : vector<16x1xi32> to vector<16xi32>
        %parallel_loop3A_537 = tpu.dynamic_gather %sub3A_77[%parallel_loop3A_536] in [0] : vector<16xf32>, vector<16xi32> -> vector<16xf32>
        %parallel_loop3A_538 = arith.cmpf olt, %parallel_loop3A_537, %parallel_loop3A_525 : vector<16xf32>
        %parallel_loop3A_539 = arith.constant 4 : i32
        %parallel_loop3A_540 = arith.constant 0 : i32
        %parallel_loop3A_541 = vector.broadcast %parallel_loop3A_539 : i32 to vector<16xi32>
        %parallel_loop3A_542 = vector.broadcast %parallel_loop3A_540 : i32 to vector<16xi32>
        %parallel_loop3A_543 = arith.select %parallel_loop3A_538, %parallel_loop3A_541, %parallel_loop3A_542 : vector<16xi1>, vector<16xi32>
        %parallel_loop3A_544 = arith.addi %parallel_loop3A_531, %parallel_loop3A_543 : vector<16xi32>
        %parallel_loop3A_545 = arith.constant 1 : i32
        %parallel_loop3A_546 = vector.broadcast %parallel_loop3A_545 : i32 to vector<16xi32>
        %parallel_loop3A_547 = arith.addi %parallel_loop3A_544, %parallel_loop3A_546 : vector<16xi32>
        %parallel_loop3A_548 = vector.shape_cast %parallel_loop3A_547 : vector<16xi32> to vector<16x1xi32>
        %parallel_loop3A_549 = vector.shape_cast %parallel_loop3A_548 : vector<16x1xi32> to vector<16xi32>
        %parallel_loop3A_550 = tpu.dynamic_gather %sub3A_77[%parallel_loop3A_549] in [0] : vector<16xf32>, vector<16xi32> -> vector<16xf32>
        %parallel_loop3A_551 = arith.cmpf olt, %parallel_loop3A_550, %parallel_loop3A_525 : vector<16xf32>
        %parallel_loop3A_552 = arith.constant 2 : i32
        %parallel_loop3A_553 = arith.constant 0 : i32
        %parallel_loop3A_554 = vector.broadcast %parallel_loop3A_552 : i32 to vector<16xi32>
        %parallel_loop3A_555 = vector.broadcast %parallel_loop3A_553 : i32 to vector<16xi32>
        %parallel_loop3A_556 = arith.select %parallel_loop3A_551, %parallel_loop3A_554, %parallel_loop3A_555 : vector<16xi1>, vector<16xi32>
        %parallel_loop3A_557 = arith.addi %parallel_loop3A_544, %parallel_loop3A_556 : vector<16xi32>
        %parallel_loop3A_558 = arith.constant 0 : i32
        %parallel_loop3A_559 = vector.broadcast %parallel_loop3A_558 : i32 to vector<16xi32>
        %parallel_loop3A_560 = arith.addi %parallel_loop3A_557, %parallel_loop3A_559 : vector<16xi32>
        %parallel_loop3A_561 = vector.shape_cast %parallel_loop3A_560 : vector<16xi32> to vector<16x1xi32>
        %parallel_loop3A_562 = vector.shape_cast %parallel_loop3A_561 : vector<16x1xi32> to vector<16xi32>
        %parallel_loop3A_563 = tpu.dynamic_gather %sub3A_77[%parallel_loop3A_562] in [0] : vector<16xf32>, vector<16xi32> -> vector<16xf32>
        %parallel_loop3A_564 = arith.cmpf olt, %parallel_loop3A_563, %parallel_loop3A_525 : vector<16xf32>
        %parallel_loop3A_565 = arith.constant 1 : i32
        %parallel_loop3A_566 = arith.constant 0 : i32
        %parallel_loop3A_567 = vector.broadcast %parallel_loop3A_565 : i32 to vector<16xi32>
        %parallel_loop3A_568 = vector.broadcast %parallel_loop3A_566 : i32 to vector<16xi32>
        %parallel_loop3A_569 = arith.select %parallel_loop3A_564, %parallel_loop3A_567, %parallel_loop3A_568 : vector<16xi1>, vector<16xi32>
        %parallel_loop3A_570 = arith.addi %parallel_loop3A_557, %parallel_loop3A_569 : vector<16xi32>
        %parallel_loop3A_571 = vector.shape_cast %parallel_loop3A_570 : vector<16xi32> to vector<16x1xi32>
        %parallel_loop3A_572 = vector.shape_cast %parallel_loop3A_571 : vector<16x1xi32> to vector<16xi32>
        %parallel_loop3A_573 = tpu.dynamic_gather %select_n3A_73[%parallel_loop3A_572] in [0] : vector<16xf32>, vector<16xi32> -> vector<16xf32>
        %parallel_loop3A_574 = arith.constant 96 : i32
        %parallel_loop3A_575 = arith.addi %parallel_loop3A_172, %parallel_loop3A_574 : i32
        %parallel_loop3A_576 = arith.index_cast %parallel_loop3A_170 : i32 to index
        %parallel_loop3A_577 = arith.index_cast %parallel_loop3A_575 : i32 to index
        %parallel_loop3A_578 = tpu.vector_load %arg9[%parallel_loop3A_576, %parallel_loop3A_577] {strides = array<i32>} : memref<8x2048xf32, #tpu.memory_space<vmem>>, vector<16xf32>,
        tpu.vector_store %arg9[%parallel_loop3A_576, %parallel_loop3A_577], %parallel_loop3A_573 {strides = array<i32>} : memref<8x2048xf32, #tpu.memory_space<vmem>>, vector<16xf32>,
        %parallel_loop3A_579 = arith.constant 112 : i32
        %parallel_loop3A_580 = arith.addi %parallel_loop3A_172, %parallel_loop3A_579 : i32
        %parallel_loop3A_581 = arith.index_cast %parallel_loop3A_170 : i32 to index
        %parallel_loop3A_582 = arith.index_cast %parallel_loop3A_580 : i32 to index
        %parallel_loop3A_583 = tpu.vector_load %arg7[%parallel_loop3A_581, %parallel_loop3A_582] {strides = array<i32>} : memref<8x2048xf32, #tpu.memory_space<vmem>>, vector<16xf32>,
        %parallel_loop3A_584 = arith.cmpf olt, %gather3A_82, %parallel_loop3A_583 : vector<16xf32>
        %parallel_loop3A_585 = arith.constant 8 : i32
        %parallel_loop3A_586 = arith.constant 0 : i32
        %parallel_loop3A_587 = vector.broadcast %parallel_loop3A_585 : i32 to vector<16xi32>
        %parallel_loop3A_588 = vector.broadcast %parallel_loop3A_586 : i32 to vector<16xi32>
        %parallel_loop3A_589 = arith.select %parallel_loop3A_584, %parallel_loop3A_587, %parallel_loop3A_588 : vector<16xi1>, vector<16xi32>
        %parallel_loop3A_590 = arith.constant 3 : i32
        %parallel_loop3A_591 = vector.broadcast %parallel_loop3A_590 : i32 to vector<16xi32>
        %parallel_loop3A_592 = arith.addi %parallel_loop3A_589, %parallel_loop3A_591 : vector<16xi32>
        %parallel_loop3A_593 = vector.shape_cast %parallel_loop3A_592 : vector<16xi32> to vector<16x1xi32>
        %parallel_loop3A_594 = vector.shape_cast %parallel_loop3A_593 : vector<16x1xi32> to vector<16xi32>
        %parallel_loop3A_595 = tpu.dynamic_gather %sub3A_77[%parallel_loop3A_594] in [0] : vector<16xf32>, vector<16xi32> -> vector<16xf32>
        %parallel_loop3A_596 = arith.cmpf olt, %parallel_loop3A_595, %parallel_loop3A_583 : vector<16xf32>
        %parallel_loop3A_597 = arith.constant 4 : i32
        %parallel_loop3A_598 = arith.constant 0 : i32
        %parallel_loop3A_599 = vector.broadcast %parallel_loop3A_597 : i32 to vector<16xi32>
        %parallel_loop3A_600 = vector.broadcast %parallel_loop3A_598 : i32 to vector<16xi32>
        %parallel_loop3A_601 = arith.select %parallel_loop3A_596, %parallel_loop3A_599, %parallel_loop3A_600 : vector<16xi1>, vector<16xi32>
        %parallel_loop3A_602 = arith.addi %parallel_loop3A_589, %parallel_loop3A_601 : vector<16xi32>
        %parallel_loop3A_603 = arith.constant 1 : i32
        %parallel_loop3A_604 = vector.broadcast %parallel_loop3A_603 : i32 to vector<16xi32>
        %parallel_loop3A_605 = arith.addi %parallel_loop3A_602, %parallel_loop3A_604 : vector<16xi32>
        %parallel_loop3A_606 = vector.shape_cast %parallel_loop3A_605 : vector<16xi32> to vector<16x1xi32>
        %parallel_loop3A_607 = vector.shape_cast %parallel_loop3A_606 : vector<16x1xi32> to vector<16xi32>
        %parallel_loop3A_608 = tpu.dynamic_gather %sub3A_77[%parallel_loop3A_607] in [0] : vector<16xf32>, vector<16xi32> -> vector<16xf32>
        %parallel_loop3A_609 = arith.cmpf olt, %parallel_loop3A_608, %parallel_loop3A_583 : vector<16xf32>
        %parallel_loop3A_610 = arith.constant 2 : i32
        %parallel_loop3A_611 = arith.constant 0 : i32
        %parallel_loop3A_612 = vector.broadcast %parallel_loop3A_610 : i32 to vector<16xi32>
        %parallel_loop3A_613 = vector.broadcast %parallel_loop3A_611 : i32 to vector<16xi32>
        %parallel_loop3A_614 = arith.select %parallel_loop3A_609, %parallel_loop3A_612, %parallel_loop3A_613 : vector<16xi1>, vector<16xi32>
        %parallel_loop3A_615 = arith.addi %parallel_loop3A_602, %parallel_loop3A_614 : vector<16xi32>
        %parallel_loop3A_616 = arith.constant 0 : i32
        %parallel_loop3A_617 = vector.broadcast %parallel_loop3A_616 : i32 to vector<16xi32>
        %parallel_loop3A_618 = arith.addi %parallel_loop3A_615, %parallel_loop3A_617 : vector<16xi32>
        %parallel_loop3A_619 = vector.shape_cast %parallel_loop3A_618 : vector<16xi32> to vector<16x1xi32>
        %parallel_loop3A_620 = vector.shape_cast %parallel_loop3A_619 : vector<16x1xi32> to vector<16xi32>
        %parallel_loop3A_621 = tpu.dynamic_gather %sub3A_77[%parallel_loop3A_620] in [0] : vector<16xf32>, vector<16xi32> -> vector<16xf32>
        %parallel_loop3A_622 = arith.cmpf olt, %parallel_loop3A_621, %parallel_loop3A_583 : vector<16xf32>
        %parallel_loop3A_623 = arith.constant 1 : i32
        %parallel_loop3A_624 = arith.constant 0 : i32
        %parallel_loop3A_625 = vector.broadcast %parallel_loop3A_623 : i32 to vector<16xi32>
        %parallel_loop3A_626 = vector.broadcast %parallel_loop3A_624 : i32 to vector<16xi32>
        %parallel_loop3A_627 = arith.select %parallel_loop3A_622, %parallel_loop3A_625, %parallel_loop3A_626 : vector<16xi1>, vector<16xi32>
        %parallel_loop3A_628 = arith.addi %parallel_loop3A_615, %parallel_loop3A_627 : vector<16xi32>
        %parallel_loop3A_629 = vector.shape_cast %parallel_loop3A_628 : vector<16xi32> to vector<16x1xi32>
        %parallel_loop3A_630 = vector.shape_cast %parallel_loop3A_629 : vector<16x1xi32> to vector<16xi32>
        %parallel_loop3A_631 = tpu.dynamic_gather %select_n3A_73[%parallel_loop3A_630] in [0] : vector<16xf32>, vector<16xi32> -> vector<16xf32>
        %parallel_loop3A_632 = arith.constant 112 : i32
        %parallel_loop3A_633 = arith.addi %parallel_loop3A_172, %parallel_loop3A_632 : i32
        %parallel_loop3A_634 = arith.index_cast %parallel_loop3A_170 : i32 to index
        %parallel_loop3A_635 = arith.index_cast %parallel_loop3A_633 : i32 to index
        %parallel_loop3A_636 = tpu.vector_load %arg9[%parallel_loop3A_634, %parallel_loop3A_635] {strides = array<i32>} : memref<8x2048xf32, #tpu.memory_space<vmem>>, vector<16xf32>,
        tpu.vector_store %arg9[%parallel_loop3A_634, %parallel_loop3A_635], %parallel_loop3A_631 {strides = array<i32>} : memref<8x2048xf32, #tpu.memory_space<vmem>>, vector<16xf32>,
      } {sc.loop_unroll_factor = 1 : i64, sc.parallel_access}
      %add3A_157 = arith.constant 1 : i32
      %add3A_158 = arith.addi %mul3A_106, %add3A_157 : i32
      %mul3A_159 = arith.constant 8 : i32
      %mul3A_160 = arith.muli %add3A_158, %mul3A_159 : i32
      %add3A_161 = arith.addi %mul3A_2, %mul3A_160 : i32
      %dma_start3A_162 = arith.constant 0 : i32
      %dma_start3A_163 = tpu.memref_slice %arg4[%add3A_161, %dma_start3A_162] : memref<7168x2048xf32, #tpu.memory_space<hbm>> -> memref<8x2048xf32, #tpu.memory_space<hbm>>
      %dma_start3A_164 = arith.constant 0 : i32
      %dma_start3A_165 = tpu.memref_slice %arg4[%add3A_161, %dma_start3A_164] : memref<7168x2048xf32, #tpu.memory_space<hbm>> -> memref<8x2048xf32, #tpu.memory_space<hbm>>
      tpu.enqueue_dma source(%arg9 : memref<8x2048xf32, #tpu.memory_space<vmem>>) target(%dma_start3A_165 : memref<8x2048xf32, #tpu.memory_space<hbm>>) target_semaphore(%arg13 : memref<!tpu.dma_semaphore, #tpu.memory_space<semaphore_mem>>)
    }
    %scan3A_92 = arith.constant 14 : i32
    %add3A_93 = arith.constant 208 : i32
    %add3A_94 = arith.addi %mul3A_2, %add3A_93 : i32
    %dma_wait3A = arith.constant 0 : i32
    %dma_wait3A_95 = tpu.memref_slice %arg4[%add3A_94, %dma_wait3A] : memref<7168x2048xf32, #tpu.memory_space<hbm>> -> memref<8x2048xf32, #tpu.memory_space<hbm>>
    %dma_wait3A_96 = arith.constant 0 : i32
    %dma_wait3A_97 = tpu.memref_slice %arg4[%add3A_94, %dma_wait3A_96] : memref<7168x2048xf32, #tpu.memory_space<hbm>> -> memref<8x2048xf32, #tpu.memory_space<hbm>>
    tpu.wait_dma2 semaphore(%arg12 : memref<!tpu.dma_semaphore, #tpu.memory_space<semaphore_mem>>) src(%arg8 : memref<8x2048xf32, #tpu.memory_space<vmem>>) dst(%dma_wait3A_97 : memref<8x2048xf32, #tpu.memory_space<hbm>>)
    %add3A_98 = arith.constant 216 : i32
    %add3A_99 = arith.addi %mul3A_2, %add3A_98 : i32
    %dma_wait3A_100 = arith.constant 0 : i32
    %dma_wait3A_101 = tpu.memref_slice %arg4[%add3A_99, %dma_wait3A_100] : memref<7168x2048xf32, #tpu.memory_space<hbm>> -> memref<8x2048xf32, #tpu.memory_space<hbm>>
    %dma_wait3A_102 = arith.constant 0 : i32
    %dma_wait3A_103 = tpu.memref_slice %arg4[%add3A_99, %dma_wait3A_102] : memref<7168x2048xf32, #tpu.memory_space<hbm>> -> memref<8x2048xf32, #tpu.memory_space<hbm>>
    tpu.wait_dma2 semaphore(%arg13 : memref<!tpu.dma_semaphore, #tpu.memory_space<semaphore_mem>>) src(%arg9 : memref<8x2048xf32, #tpu.memory_space<vmem>>) dst(%dma_wait3A_103 : memref<8x2048xf32, #tpu.memory_space<hbm>>)
    return
  }
}

module attributes {stable_mosaic.version = 14 : i64} {
  func.func @_tc_body(%arg0: i32, %arg1: memref<15xf32, #tpu.memory_space<smem>>, %arg2: memref<256x2048xf32, #tpu.memory_space<vmem>>, %arg3: memref<256x2048xf32, #tpu.memory_space<vmem>>) attributes {dimension_semantics = [#tpu.dimension_semantics<arbitrary>], iteration_bounds = array<i64: 36>, scalar_prefetch = 0 : i64, scratch_operands = 0 : i64, tpu.core_type = #tpu.core_type<tc>, window_params = [{transform_indices = @transform_0, window_bounds = array<i64: 15>}, {transform_indices = @transform_1, window_bounds = array<i64: 256, 2048>}, {transform_indices = @transform_2, window_bounds = array<i64: 256, 2048>}]} {
    %get3A = arith.constant 0 : index
    %get3A_0 = arith.constant 0 : index
    %get3A_1 = vector.load %arg2[%get3A, %get3A_0] : memref<256x2048xf32, #tpu.memory_space<vmem>>, vector<256x2048xf32>
    %broadcast_in_dim3A = arith.constant 0.000000e+00 : f32
    %broadcast_in_dim3A_2 = vector.broadcast %broadcast_in_dim3A : f32 to vector<256x2048xf32>
    %get3A_3 = arith.constant 0 : index
    %get3A_4 = memref.load %arg1[%get3A_3] : memref<15xf32, #tpu.memory_space<smem>>
    %mul3A = arith.constant 5.000000e-01 : f32
    %mul3A_5 = arith.mulf %get3A_4, %mul3A : f32
    %add3A = arith.constant 0.000000e+00 : f32
    %add3A_6 = arith.addf %add3A, %mul3A_5 : f32
    %add3A_7 = arith.constant 0.000000e+00 : f32
    %add3A_8 = arith.addf %add3A_7, %get3A_4 : f32
    %gt3A = vector.broadcast %add3A_6 : f32 to vector<256x2048xf32>
    %gt3A_9 = arith.cmpf ogt, %get3A_1, %gt3A : vector<256x2048xf32>
    %jit3A = arith.constant 0.000000e+00 : f32
    %broadcast_in_dim3A_10 = vector.broadcast %get3A_4 : f32 to vector<256x2048xf32>
    %broadcast_in_dim3A_11 = vector.broadcast %jit3A : f32 to vector<256x2048xf32>
    %select_n3A = arith.select %gt3A_9, %broadcast_in_dim3A_10, %broadcast_in_dim3A_11 : vector<256x2048xi1>, vector<256x2048xf32>
    %add3A_12 = arith.addf %broadcast_in_dim3A_2, %select_n3A : vector<256x2048xf32>
    %get3A_13 = arith.constant 1 : index
    %get3A_14 = memref.load %arg1[%get3A_13] : memref<15xf32, #tpu.memory_space<smem>>
    %mul3A_15 = arith.constant 5.000000e-01 : f32
    %mul3A_16 = arith.mulf %get3A_14, %mul3A_15 : f32
    %add3A_17 = arith.addf %add3A_8, %mul3A_16 : f32
    %add3A_18 = arith.addf %add3A_8, %get3A_14 : f32
    %gt3A_19 = vector.broadcast %add3A_17 : f32 to vector<256x2048xf32>
    %gt3A_20 = arith.cmpf ogt, %get3A_1, %gt3A_19 : vector<256x2048xf32>
    %jit3A_21 = arith.constant 0.000000e+00 : f32
    %broadcast_in_dim3A_22 = vector.broadcast %get3A_14 : f32 to vector<256x2048xf32>
    %broadcast_in_dim3A_23 = vector.broadcast %jit3A_21 : f32 to vector<256x2048xf32>
    %select_n3A_24 = arith.select %gt3A_20, %broadcast_in_dim3A_22, %broadcast_in_dim3A_23 : vector<256x2048xi1>, vector<256x2048xf32>
    %add3A_25 = arith.addf %add3A_12, %select_n3A_24 : vector<256x2048xf32>
    %get3A_26 = arith.constant 2 : index
    %get3A_27 = memref.load %arg1[%get3A_26] : memref<15xf32, #tpu.memory_space<smem>>
    %mul3A_28 = arith.constant 5.000000e-01 : f32
    %mul3A_29 = arith.mulf %get3A_27, %mul3A_28 : f32
    %add3A_30 = arith.addf %add3A_18, %mul3A_29 : f32
    %add3A_31 = arith.addf %add3A_18, %get3A_27 : f32
    %gt3A_32 = vector.broadcast %add3A_30 : f32 to vector<256x2048xf32>
    %gt3A_33 = arith.cmpf ogt, %get3A_1, %gt3A_32 : vector<256x2048xf32>
    %jit3A_34 = arith.constant 0.000000e+00 : f32
    %broadcast_in_dim3A_35 = vector.broadcast %get3A_27 : f32 to vector<256x2048xf32>
    %broadcast_in_dim3A_36 = vector.broadcast %jit3A_34 : f32 to vector<256x2048xf32>
    %select_n3A_37 = arith.select %gt3A_33, %broadcast_in_dim3A_35, %broadcast_in_dim3A_36 : vector<256x2048xi1>, vector<256x2048xf32>
    %add3A_38 = arith.addf %add3A_25, %select_n3A_37 : vector<256x2048xf32>
    %get3A_39 = arith.constant 3 : index
    %get3A_40 = memref.load %arg1[%get3A_39] : memref<15xf32, #tpu.memory_space<smem>>
    %mul3A_41 = arith.constant 5.000000e-01 : f32
    %mul3A_42 = arith.mulf %get3A_40, %mul3A_41 : f32
    %add3A_43 = arith.addf %add3A_31, %mul3A_42 : f32
    %add3A_44 = arith.addf %add3A_31, %get3A_40 : f32
    %gt3A_45 = vector.broadcast %add3A_43 : f32 to vector<256x2048xf32>
    %gt3A_46 = arith.cmpf ogt, %get3A_1, %gt3A_45 : vector<256x2048xf32>
    %jit3A_47 = arith.constant 0.000000e+00 : f32
    %broadcast_in_dim3A_48 = vector.broadcast %get3A_40 : f32 to vector<256x2048xf32>
    %broadcast_in_dim3A_49 = vector.broadcast %jit3A_47 : f32 to vector<256x2048xf32>
    %select_n3A_50 = arith.select %gt3A_46, %broadcast_in_dim3A_48, %broadcast_in_dim3A_49 : vector<256x2048xi1>, vector<256x2048xf32>
    %add3A_51 = arith.addf %add3A_38, %select_n3A_50 : vector<256x2048xf32>
    %get3A_52 = arith.constant 4 : index
    %get3A_53 = memref.load %arg1[%get3A_52] : memref<15xf32, #tpu.memory_space<smem>>
    %mul3A_54 = arith.constant 5.000000e-01 : f32
    %mul3A_55 = arith.mulf %get3A_53, %mul3A_54 : f32
    %add3A_56 = arith.addf %add3A_44, %mul3A_55 : f32
    %add3A_57 = arith.addf %add3A_44, %get3A_53 : f32
    %gt3A_58 = vector.broadcast %add3A_56 : f32 to vector<256x2048xf32>
    %gt3A_59 = arith.cmpf ogt, %get3A_1, %gt3A_58 : vector<256x2048xf32>
    %jit3A_60 = arith.constant 0.000000e+00 : f32
    %broadcast_in_dim3A_61 = vector.broadcast %get3A_53 : f32 to vector<256x2048xf32>
    %broadcast_in_dim3A_62 = vector.broadcast %jit3A_60 : f32 to vector<256x2048xf32>
    %select_n3A_63 = arith.select %gt3A_59, %broadcast_in_dim3A_61, %broadcast_in_dim3A_62 : vector<256x2048xi1>, vector<256x2048xf32>
    %add3A_64 = arith.addf %add3A_51, %select_n3A_63 : vector<256x2048xf32>
    %get3A_65 = arith.constant 5 : index
    %get3A_66 = memref.load %arg1[%get3A_65] : memref<15xf32, #tpu.memory_space<smem>>
    %mul3A_67 = arith.constant 5.000000e-01 : f32
    %mul3A_68 = arith.mulf %get3A_66, %mul3A_67 : f32
    %add3A_69 = arith.addf %add3A_57, %mul3A_68 : f32
    %add3A_70 = arith.addf %add3A_57, %get3A_66 : f32
    %gt3A_71 = vector.broadcast %add3A_69 : f32 to vector<256x2048xf32>
    %gt3A_72 = arith.cmpf ogt, %get3A_1, %gt3A_71 : vector<256x2048xf32>
    %jit3A_73 = arith.constant 0.000000e+00 : f32
    %broadcast_in_dim3A_74 = vector.broadcast %get3A_66 : f32 to vector<256x2048xf32>
    %broadcast_in_dim3A_75 = vector.broadcast %jit3A_73 : f32 to vector<256x2048xf32>
    %select_n3A_76 = arith.select %gt3A_72, %broadcast_in_dim3A_74, %broadcast_in_dim3A_75 : vector<256x2048xi1>, vector<256x2048xf32>
    %add3A_77 = arith.addf %add3A_64, %select_n3A_76 : vector<256x2048xf32>
    %get3A_78 = arith.constant 6 : index
    %get3A_79 = memref.load %arg1[%get3A_78] : memref<15xf32, #tpu.memory_space<smem>>
    %mul3A_80 = arith.constant 5.000000e-01 : f32
    %mul3A_81 = arith.mulf %get3A_79, %mul3A_80 : f32
    %add3A_82 = arith.addf %add3A_70, %mul3A_81 : f32
    %add3A_83 = arith.addf %add3A_70, %get3A_79 : f32
    %gt3A_84 = vector.broadcast %add3A_82 : f32 to vector<256x2048xf32>
    %gt3A_85 = arith.cmpf ogt, %get3A_1, %gt3A_84 : vector<256x2048xf32>
    %jit3A_86 = arith.constant 0.000000e+00 : f32
    %broadcast_in_dim3A_87 = vector.broadcast %get3A_79 : f32 to vector<256x2048xf32>
    %broadcast_in_dim3A_88 = vector.broadcast %jit3A_86 : f32 to vector<256x2048xf32>
    %select_n3A_89 = arith.select %gt3A_85, %broadcast_in_dim3A_87, %broadcast_in_dim3A_88 : vector<256x2048xi1>, vector<256x2048xf32>
    %add3A_90 = arith.addf %add3A_77, %select_n3A_89 : vector<256x2048xf32>
    %get3A_91 = arith.constant 7 : index
    %get3A_92 = memref.load %arg1[%get3A_91] : memref<15xf32, #tpu.memory_space<smem>>
    %mul3A_93 = arith.constant 5.000000e-01 : f32
    %mul3A_94 = arith.mulf %get3A_92, %mul3A_93 : f32
    %add3A_95 = arith.addf %add3A_83, %mul3A_94 : f32
    %add3A_96 = arith.addf %add3A_83, %get3A_92 : f32
    %gt3A_97 = vector.broadcast %add3A_95 : f32 to vector<256x2048xf32>
    %gt3A_98 = arith.cmpf ogt, %get3A_1, %gt3A_97 : vector<256x2048xf32>
    %jit3A_99 = arith.constant 0.000000e+00 : f32
    %broadcast_in_dim3A_100 = vector.broadcast %get3A_92 : f32 to vector<256x2048xf32>
    %broadcast_in_dim3A_101 = vector.broadcast %jit3A_99 : f32 to vector<256x2048xf32>
    %select_n3A_102 = arith.select %gt3A_98, %broadcast_in_dim3A_100, %broadcast_in_dim3A_101 : vector<256x2048xi1>, vector<256x2048xf32>
    %add3A_103 = arith.addf %add3A_90, %select_n3A_102 : vector<256x2048xf32>
    %get3A_104 = arith.constant 8 : index
    %get3A_105 = memref.load %arg1[%get3A_104] : memref<15xf32, #tpu.memory_space<smem>>
    %mul3A_106 = arith.constant 5.000000e-01 : f32
    %mul3A_107 = arith.mulf %get3A_105, %mul3A_106 : f32
    %add3A_108 = arith.addf %add3A_96, %mul3A_107 : f32
    %add3A_109 = arith.addf %add3A_96, %get3A_105 : f32
    %gt3A_110 = vector.broadcast %add3A_108 : f32 to vector<256x2048xf32>
    %gt3A_111 = arith.cmpf ogt, %get3A_1, %gt3A_110 : vector<256x2048xf32>
    %jit3A_112 = arith.constant 0.000000e+00 : f32
    %broadcast_in_dim3A_113 = vector.broadcast %get3A_105 : f32 to vector<256x2048xf32>
    %broadcast_in_dim3A_114 = vector.broadcast %jit3A_112 : f32 to vector<256x2048xf32>
    %select_n3A_115 = arith.select %gt3A_111, %broadcast_in_dim3A_113, %broadcast_in_dim3A_114 : vector<256x2048xi1>, vector<256x2048xf32>
    %add3A_116 = arith.addf %add3A_103, %select_n3A_115 : vector<256x2048xf32>
    %get3A_117 = arith.constant 9 : index
    %get3A_118 = memref.load %arg1[%get3A_117] : memref<15xf32, #tpu.memory_space<smem>>
    %mul3A_119 = arith.constant 5.000000e-01 : f32
    %mul3A_120 = arith.mulf %get3A_118, %mul3A_119 : f32
    %add3A_121 = arith.addf %add3A_109, %mul3A_120 : f32
    %add3A_122 = arith.addf %add3A_109, %get3A_118 : f32
    %gt3A_123 = vector.broadcast %add3A_121 : f32 to vector<256x2048xf32>
    %gt3A_124 = arith.cmpf ogt, %get3A_1, %gt3A_123 : vector<256x2048xf32>
    %jit3A_125 = arith.constant 0.000000e+00 : f32
    %broadcast_in_dim3A_126 = vector.broadcast %get3A_118 : f32 to vector<256x2048xf32>
    %broadcast_in_dim3A_127 = vector.broadcast %jit3A_125 : f32 to vector<256x2048xf32>
    %select_n3A_128 = arith.select %gt3A_124, %broadcast_in_dim3A_126, %broadcast_in_dim3A_127 : vector<256x2048xi1>, vector<256x2048xf32>
    %add3A_129 = arith.addf %add3A_116, %select_n3A_128 : vector<256x2048xf32>
    %get3A_130 = arith.constant 10 : index
    %get3A_131 = memref.load %arg1[%get3A_130] : memref<15xf32, #tpu.memory_space<smem>>
    %mul3A_132 = arith.constant 5.000000e-01 : f32
    %mul3A_133 = arith.mulf %get3A_131, %mul3A_132 : f32
    %add3A_134 = arith.addf %add3A_122, %mul3A_133 : f32
    %add3A_135 = arith.addf %add3A_122, %get3A_131 : f32
    %gt3A_136 = vector.broadcast %add3A_134 : f32 to vector<256x2048xf32>
    %gt3A_137 = arith.cmpf ogt, %get3A_1, %gt3A_136 : vector<256x2048xf32>
    %jit3A_138 = arith.constant 0.000000e+00 : f32
    %broadcast_in_dim3A_139 = vector.broadcast %get3A_131 : f32 to vector<256x2048xf32>
    %broadcast_in_dim3A_140 = vector.broadcast %jit3A_138 : f32 to vector<256x2048xf32>
    %select_n3A_141 = arith.select %gt3A_137, %broadcast_in_dim3A_139, %broadcast_in_dim3A_140 : vector<256x2048xi1>, vector<256x2048xf32>
    %add3A_142 = arith.addf %add3A_129, %select_n3A_141 : vector<256x2048xf32>
    %get3A_143 = arith.constant 11 : index
    %get3A_144 = memref.load %arg1[%get3A_143] : memref<15xf32, #tpu.memory_space<smem>>
    %mul3A_145 = arith.constant 5.000000e-01 : f32
    %mul3A_146 = arith.mulf %get3A_144, %mul3A_145 : f32
    %add3A_147 = arith.addf %add3A_135, %mul3A_146 : f32
    %add3A_148 = arith.addf %add3A_135, %get3A_144 : f32
    %gt3A_149 = vector.broadcast %add3A_147 : f32 to vector<256x2048xf32>
    %gt3A_150 = arith.cmpf ogt, %get3A_1, %gt3A_149 : vector<256x2048xf32>
    %jit3A_151 = arith.constant 0.000000e+00 : f32
    %broadcast_in_dim3A_152 = vector.broadcast %get3A_144 : f32 to vector<256x2048xf32>
    %broadcast_in_dim3A_153 = vector.broadcast %jit3A_151 : f32 to vector<256x2048xf32>
    %select_n3A_154 = arith.select %gt3A_150, %broadcast_in_dim3A_152, %broadcast_in_dim3A_153 : vector<256x2048xi1>, vector<256x2048xf32>
    %add3A_155 = arith.addf %add3A_142, %select_n3A_154 : vector<256x2048xf32>
    %get3A_156 = arith.constant 12 : index
    %get3A_157 = memref.load %arg1[%get3A_156] : memref<15xf32, #tpu.memory_space<smem>>
    %mul3A_158 = arith.constant 5.000000e-01 : f32
    %mul3A_159 = arith.mulf %get3A_157, %mul3A_158 : f32
    %add3A_160 = arith.addf %add3A_148, %mul3A_159 : f32
    %add3A_161 = arith.addf %add3A_148, %get3A_157 : f32
    %gt3A_162 = vector.broadcast %add3A_160 : f32 to vector<256x2048xf32>
    %gt3A_163 = arith.cmpf ogt, %get3A_1, %gt3A_162 : vector<256x2048xf32>
    %jit3A_164 = arith.constant 0.000000e+00 : f32
    %broadcast_in_dim3A_165 = vector.broadcast %get3A_157 : f32 to vector<256x2048xf32>
    %broadcast_in_dim3A_166 = vector.broadcast %jit3A_164 : f32 to vector<256x2048xf32>
    %select_n3A_167 = arith.select %gt3A_163, %broadcast_in_dim3A_165, %broadcast_in_dim3A_166 : vector<256x2048xi1>, vector<256x2048xf32>
    %add3A_168 = arith.addf %add3A_155, %select_n3A_167 : vector<256x2048xf32>
    %get3A_169 = arith.constant 13 : index
    %get3A_170 = memref.load %arg1[%get3A_169] : memref<15xf32, #tpu.memory_space<smem>>
    %mul3A_171 = arith.constant 5.000000e-01 : f32
    %mul3A_172 = arith.mulf %get3A_170, %mul3A_171 : f32
    %add3A_173 = arith.addf %add3A_161, %mul3A_172 : f32
    %add3A_174 = arith.addf %add3A_161, %get3A_170 : f32
    %gt3A_175 = vector.broadcast %add3A_173 : f32 to vector<256x2048xf32>
    %gt3A_176 = arith.cmpf ogt, %get3A_1, %gt3A_175 : vector<256x2048xf32>
    %jit3A_177 = arith.constant 0.000000e+00 : f32
    %broadcast_in_dim3A_178 = vector.broadcast %get3A_170 : f32 to vector<256x2048xf32>
    %broadcast_in_dim3A_179 = vector.broadcast %jit3A_177 : f32 to vector<256x2048xf32>
    %select_n3A_180 = arith.select %gt3A_176, %broadcast_in_dim3A_178, %broadcast_in_dim3A_179 : vector<256x2048xi1>, vector<256x2048xf32>
    %add3A_181 = arith.addf %add3A_168, %select_n3A_180 : vector<256x2048xf32>
    %get3A_182 = arith.constant 14 : index
    %get3A_183 = memref.load %arg1[%get3A_182] : memref<15xf32, #tpu.memory_space<smem>>
    %mul3A_184 = arith.constant 5.000000e-01 : f32
    %mul3A_185 = arith.mulf %get3A_183, %mul3A_184 : f32
    %add3A_186 = arith.addf %add3A_174, %mul3A_185 : f32
    %gt3A_187 = vector.broadcast %add3A_186 : f32 to vector<256x2048xf32>
    %gt3A_188 = arith.cmpf ogt, %get3A_1, %gt3A_187 : vector<256x2048xf32>
    %jit3A_189 = arith.constant 0.000000e+00 : f32
    %broadcast_in_dim3A_190 = vector.broadcast %get3A_183 : f32 to vector<256x2048xf32>
    %broadcast_in_dim3A_191 = vector.broadcast %jit3A_189 : f32 to vector<256x2048xf32>
    %select_n3A_192 = arith.select %gt3A_188, %broadcast_in_dim3A_190, %broadcast_in_dim3A_191 : vector<256x2048xi1>, vector<256x2048xf32>
    %add3A_193 = arith.addf %add3A_181, %select_n3A_192 : vector<256x2048xf32>
    %swap3A = arith.constant 0 : index
    %swap3A_194 = arith.constant 0 : index
    %swap3A_195 = vector.load %arg3[%swap3A, %swap3A_194] : memref<256x2048xf32, #tpu.memory_space<vmem>>, vector<256x2048xf32>
    tpu.vector_store %arg3[%swap3A, %swap3A_194], %add3A_193 {strides = array<i32>} : memref<256x2048xf32, #tpu.memory_space<vmem>>, vector<256x2048xf32>,
    return
  }
  func.func @transform_0(%arg0: i32) -> i32 {
    %c0_i32 = arith.constant 0 : i32
    %c0_i32_0 = arith.constant 0 : i32
    return %c0_i32 : i32
  }
  func.func @transform_1(%arg0: i32) -> (i32, i32) {
    %add3A = arith.constant 28 : i32
    %add3A_0 = arith.addi %arg0, %add3A : i32
    %c0_i32 = arith.constant 0 : i32
    %c0_i32_1 = arith.constant 0 : i32
    return %add3A_0, %c0_i32 : i32, i32
  }
  func.func @transform_2(%arg0: i32) -> (i32, i32) {
    %c0_i32 = arith.constant 0 : i32
    %c0_i32_0 = arith.constant 0 : i32
    return %arg0, %c0_i32 : i32, i32
  }
}

</mosaic_0001>

<sc_bundles>
// kernel: kernel.4.cloned.1.call-start
scs
__scs_entry_jumppad:
0x0: {  	(pc) =	sbr.rel $0x88, $3  }
0x1: {  	(tag) =	ssettag $0x0;
	lr =	simm.s32 $0x1  }
0x2: {  	[smem:$0x3F9F] =	sst lr;
	_ =	strace $0xD0000000  }
0x3: {  	_ = 	snop  }
0x4: {  	_ = 	snop  }
0x5: {  	_ = 	snop  }
0x6: {  	_ = 	snop  }
0x7: {  	_ = 	snop  }
__scs_overlays_trampoline_lowered:
0x8: {  	[smem:$0x3FAE] =	sst s0  }
0x9: {  	[smem:$0x3FAF] =	sst s1  }
0xa: {  	[smem:$0x3FB0] =	sst s2  }
0xb: {  	[smem:$0x3FB1] =	sst s3  }
0xc: {  	[smem:$0x3FB2] =	sst s4  }
0xd: {  	[smem:$0x3FB3] =	sst s5  }
0xe: {  	[smem:$0x3FB4] =	sst s6  }
0xf: {  	[smem:$0x3FB5] =	sst s7  }
0x10: {  	[smem:$0x3FB6] =	sst s8  }
0x11: {  	[smem:$0x3FB7] =	sst s9;
	s0 =	simm.s32 @!p0 $0x0  }
0x12: {  	s1 =	sld [smem:$0x3F9D];
	s0 =	simm.s32 @p0 $0x1  }
0x13: {  	[smem:$0x3FB8] =	sst s0;
	s0 =	simm.s32 @!p1 $0x0  }
0x14: {  	s2 =	sld [smem:$0x3F9C];
	s0 =	simm.s32 @p1 $0x1  }
0x15: {  	[smem:$0x3FB9] =	sst s0;
	s0 =	simm.s32 @!p2 $0x0  }
0x16: {  	s3 =	sld [smem:$0x3FDB];
	s0 =	simm.s32 @p2 $0x1  }
0x17: {  	s4 =	simm.s32 $0x1BF5;
	[smem:$0x3FBB] =	sst s0  }
0x18: {  	s0 =	sld [smem:$0x3F9E];
	_ =	swait.ge [sflag:s4], $0x0  }
0x19: {  	s7 =	sld [smem:$0x3F9F]  }
0x1a: {  	s8 =	sadd.s32 $0xFFFFE003, lr  }
0x1b: {  	s9 =	sadd.s32 $0xFFFFFEF7, lr;
	s5 =	simm.s32 $0xFFFFFFFF;
	p2 =	slt.u32 s8, $0xFFFFF086  }
0x1c: {  	p1 =	slt.u32 s9, $0xF7A;
	s5 =	simm.s32 @!p2 $0x0  }
0x1d: {  	s5 =	simm.s32 @p1 $0x1;
	p0 =	seq.s32 s7, s2  }
0x1e: {  	s7 =	smul.u32 @!p0 $0xF7A, s2;
	p2 =	seq.s32 @!p0 s5, $0x0  }
0x1f: {  	s9 =	smul.u32 $0xF7A, s1;
	s8 =	simm.s32 @!p0 $0x1BF5;
	p2 =	por !p2, p0  }
0x20: {  	[sflag:s8] =	ssyncset.s32 @!p0 $0xFFFFF086;
	s6 =	sadd.s32 @!p0 s3, s7;
	s7 =	simm.s32 @!p0 $0x108  }
0x21: {  	s3 =	sadd.s32 s3, s9;
	s6 =	sadd.s32 @!p0 $0x88, s6;
	s7 =	simm.s32 @p2 $0x1082  }
0x22: {  	[simem:s7], [sflag:s8] =	dma.local @!p0 [hbm:s6], $0xF7A  }
0x23: {  	s9 =	sor.u32 $0xD0000000, s2;
	s6 =	simm.s32 $0x108;
	_ =	swait.ge @!p0 [sflag:s8], $0x0  }
0x24: {  	s3 =	sadd.s32 $0x88, s3;
	s6 =	simm.s32 @!p1 $0x1082;
	[sflag:s4] =	ssyncset.s32 $0xFFFFF086  }
0x25: {  	[simem:s6], [sflag:s4] =	dma.local [hbm:s3], $0xF7A  }
0x26: {  	[smem:$0x3F9F] =	sst s1;
	(tag) =	ssettag s2;
	_ =	strace s9  }
0x27: {  	s1 =	sld [smem:$0x3FAF]  }
0x28: {  	s2 =	sld [smem:$0x3FB0]  }
0x29: {  	s4 =	sld [smem:$0x3FB2]  }
0x2a: {  	p0 =	seq.s32 s5, $0x0;
	s5 =	sld [smem:$0x3FB3]  }
0x2b: {  	s6 =	sld [smem:$0x3FB4]  }
0x2c: {  	s7 =	sld [smem:$0x3FB5]  }
0x2d: {  	s3 =	simm.s32 $0x108;
	s8 =	sld [smem:$0x3FB6]  }
0x2e: {  	s3 =	simm.s32 @!p0 $0x1082;
	s9 =	sld [smem:$0x3FB7]  }
0x2f: {  	lr =	sadd.s32 s0, s3;
	s0 =	sld [smem:$0x3FAE]  }
0x30: {  	s3 =	sld [smem:$0x3FB1]  }
0x31: {  	[smem:$0x3FBA] =	sst s10  }
0x32: {  	s10 =	sld [smem:$0x3FB8];
	_ =	sdelay $0x3  }
0x33: {  	p0 =	seq.s32 s10, $0x1;
	s10 =	sld [smem:$0x3FBA];
	_ =	sdelay $0x3  }
0x34: {  	[smem:$0x3FBA] =	sst s10  }
0x35: {  	s10 =	sld [smem:$0x3FB9];
	_ =	sdelay $0x3  }
0x36: {  	p1 =	seq.s32 s10, $0x1;
	s10 =	sld [smem:$0x3FBA];
	_ =	sdelay $0x3  }
0x37: {  	[smem:$0x3FBA] =	sst s10  }
0x38: {  	s10 =	sld [smem:$0x3FBB]  }
0x39: {  	_ = 	snop;
	(pc) =	sbr.ind lr, $3  }
0x3a: {  	_ = 	snop  }
0x3b: {  	_ = 	snop  }
0x3c: {  	p2 =	seq.s32 s10, $0x1;
	s10 =	sld [smem:$0x3FBA]  }
0x3d: {  	_ =	shalt  }
0x3e: {  	_ =	shalt  }
0x3f: {  	_ =	shalt  }
0x40: {  	_ =	shalt  }
0x41: {  	_ =	shalt  }
0x42: {  	_ =	shalt  }
0x43: {  	_ =	shalt  }
0x44: {  	_ =	shalt  }
0x45: {  	_ =	shalt  }
0x46: {  	_ =	shalt  }
0x47: {  	_ =	shalt  }
0x48: {  	_ =	shalt  }
0x49: {  	_ =	shalt  }
0x4a: {  	_ =	shalt  }
0x4b: {  	_ =	shalt  }
0x4c: {  	_ =	shalt  }
0x4d: {  	_ =	shalt  }
0x4e: {  	_ =	shalt  }
0x4f: {  	_ =	shalt  }
0x50: {  	_ =	shalt  }
0x51: {  	_ =	shalt  }
0x52: {  	_ =	shalt  }
0x53: {  	_ =	shalt  }
0x54: {  	_ =	shalt  }
0x55: {  	_ =	shalt  }
0x56: {  	_ =	shalt  }
0x57: {  	_ =	shalt  }
0x58: {  	_ =	shalt  }
0x59: {  	_ =	shalt  }
0x5a: {  	_ =	shalt  }
0x5b: {  	_ =	shalt  }
0x5c: {  	_ =	shalt  }
0x5d: {  	_ =	shalt  }
0x5e: {  	_ =	shalt  }
0x5f: {  	_ =	shalt  }
0x60: {  	_ =	shalt  }
0x61: {  	_ =	shalt  }
0x62: {  	_ =	shalt  }
0x63: {  	_ =	shalt  }
0x64: {  	_ =	shalt  }
0x65: {  	_ =	shalt  }
0x66: {  	_ =	shalt  }
0x67: {  	_ =	shalt  }
0x68: {  	_ =	shalt  }
0x69: {  	_ =	shalt  }
0x6a: {  	_ =	shalt  }
0x6b: {  	_ =	shalt  }
0x6c: {  	_ =	shalt  }
0x6d: {  	_ =	shalt  }
0x6e: {  	_ =	shalt  }
0x6f: {  	_ =	shalt  }
0x70: {  	_ =	shalt  }
0x71: {  	_ =	shalt  }
0x72: {  	_ =	shalt  }
0x73: {  	_ =	shalt  }
0x74: {  	_ =	shalt  }
0x75: {  	_ =	shalt  }
0x76: {  	_ =	shalt  }
0x77: {  	_ =	shalt  }
0x78: {  	_ =	shalt  }
0x79: {  	_ =	shalt  }
0x7a: {  	_ =	shalt  }
0x7b: {  	_ =	shalt  }
0x7c: {  	_ =	shalt  }
0x7d: {  	_ =	shalt  }
0x7e: {  	_ =	shalt  }
0x7f: {  	_ =	shalt  }
0x80: {  	_ =	shalt  }
0x81: {  	_ =	shalt  }
0x82: {  	_ =	shalt  }
0x83: {  	_ =	shalt  }
0x84: {  	_ =	shalt  }
0x85: {  	_ =	shalt  }
0x86: {  	_ =	shalt  }
0x87: {  	_ =	shalt  }
.Lfunc_end0:
.L_simem_size_0:
called_computation_lowered:
.L_overlay_start_0:
0x88: {  	s2 =	sld [smem:$0x3FD9]  }
0x89: {  	s3 =	sld [smem:$0x3FFE];
	_ =	sdelay $0x1  }
0x8a: {  	s1 =	srdreg.scid  }
0x8b: {  	s0 =	sand.u32 $0x1, s1  }
0x8c: {  	s17 =	sshll.u32 s0, $0xA;
	s2 =	sadd.s32 s3, s2  }
0x8d: {  	s2 =	sadd.s32 s2, s17  }
0x8e: {  	[smem:$0x3FC6] =	sst s2  }
0x8f: {  	_ = 	snop  }
0x90: {  	s2 =	sld [smem:$0x3FC9]  }
0x91: {  	s18 =	sld [smem:$0x3FD0];
	(tm) =	ssettm $0x1  }
0x92: {  	s4 =	sld [smem:$0x3FFB];
	_ =	sdelay $0x3  }
0x93: {  	_ =	strace s4  }
0x94: {  	s4 =	sld [smem:$0x3FFC];
	_ =	sdelay $0x3  }
0x95: {  	_ =	strace s4  }
0x96: {  	s4 =	sld [smem:$0x3FFD];
	_ =	sdelay $0x3  }
0x97: {  	_ =	strace s4  }
0x98: {  	_ =	strace $0x8FFFFFFF  }
0x99: {  	s19 =	sld [smem:$0x3FDB];
	_ =	sdelay $0x1  }
0x9a: {  	s5 =	simm.s32 $_scs_section_size  }
0x9b: {  	s6 =	simm.s32 $_size__tile_overlayer_lowered;
	s7 =	simm.s32 $_tile_overlayer_lowered  }
0x9c: {  	s22 =	simm.s32 $0x1BFF;
	s21 =	sshll.u32 s7, $0x1;
	s4 =	sadd.s32 s5, s19  }
0x9d: {  	s8 =	simm.s32 $0x0;
	s20 =	sshll.u32 s6, $0x1;
	s6 =	sadd.s32 s21, s4  }
0x9e: {  	[timem:s8], [sflag:s22] =	dma.local [hbm:s6], s20  }
0x9f: {  	_ =	swait.ge [sflag:s22], s20  }
0xa0: {  	s5 =	ssub.s32 $0x0, s20;
	[sflag:s22] =	ssyncset.done $0x0  }
0xa1: {  	[sflag:s22] =	ssyncadd.s32 s5;
	_ =	sdelay $0x1  }
0xa2: {  	s23 =	simm.s32 $0x1B8B  }
0xa3: {  	_ =	swait.ge [sflag:s23], $0x1  }
0xa4: {  	[sflag:s23] =	ssyncset.done $0x0  }
0xa5: {  	s25 =	simm.s32 $0x1B8E;
	s24 =	sld [smem:$0x3FFE];
	[sflag:s23] =	ssyncadd.s32 $0xFFFFFFFF  }
0xa6: {  	s26 =	simm.s32 $execute0_lowered;
	[smem:$0x3FD2] =	sst s25  }
0xa7: {  	s6 =	sshll.u32 s26, $0x1;
	_ =	strace $0x80000046;
	[dreg:$0x1] =	wrdreg $0xFFFFFFFF  }
0xa8: {  	s28 =	simm.s32 $_size_execute0_lowered;
	s4 =	sadd.s32 s4, s6;
	[dreg:$0x0] =	wrdreg $0x0  }
0xa9: {  	s6 =	sshll.u32 s28, $0x1;
	[dreg:$0x2] =	wrdreg s4  }
0xaa: {  	[dreg:$0x3] =	wrdreg s6  }
0xab: {  	[dreg:$0x4] =	wrdreg $0xC0  }
0xac: {  	_ =	task [dreg:s8], $0x5FFFF  }
0xad: {  	[dreg:$0x1] =	wrdreg $0xFFFFFFFF  }
0xae: {  	[dreg:$0x0] =	wrdreg $0x60  }
0xaf: {  	[dreg:$0x2] =	wrdreg s2  }
0xb0: {  	[dreg:$0x3] =	wrdreg s18  }
0xb1: {  	[dreg:$0x4] =	wrdreg s24  }
0xb2: {  	[dreg:$0x5] =	wrdreg $0x9  }
0xb3: {  	_ =	task.clear_ibuf [dreg:s8], $0x6FFFF;
	_ =	strace $0x90000046  }
0xb4: {  	s29 =	simm.s32 $0x9;
	_ =	strace $0x80000048  }
0xb5: {  	_ =	swait.ge [sflag:s29], $0x1  }
0xb6: {  	[sflag:s29] =	ssyncadd.s32 $0xFFFFFFFF  }
0xb7: {  	_ =	strace $0x90000048  }
0xb8: {  	_ =	sfence  }
0xb9: {  	s30 =	sld [smem:$0x0];
	_ =	sdelay $0x2  }
0xba: {  	s31 =	sshll.u32 s1, $0xD;
	s1 =	sshrl.u32 s1, $0x2  }
0xbb: {  	s3 =	sand.u32 $0x4000, s31;
	s1 =	sadd.s32 s1, s30  }
0xbc: {  	s0 =	sor.u32 s3, s0;
	s1 =	sshll.u32 s1, $0x11  }
0xbd: {  	s0 =	sor.u32 s1, s0  }
0xbe: {  	s0 =	sadd.s32 $0x8F2B, s0  }
0xbf: {  	[sflag:s0] =	ssyncadd.remote.s32 $0x1  }
0xc0: {  	_ =	sfence.sel $0xFFFF  }
0xc1: {  	[dreg:$0x0] =	wrdreg $0xFFFFFFFF;
	(pc) =	sbr.abs _section_cstart, $3  }
0xc2: {  	[dreg:$0x1] =	wrdreg $0xFFFFFFFF  }
0xc3: {  	_ =	task.clear_ibuf [dreg:s8], $0x2FFFF;
	_ =	strace $0x9FFFFFFF  }
0xc4: {  	(tm) =	ssettm $0x7FFFFFFF  }
0xc5: {  	_ =	shalt  }
tec
execute0_lowered:
.L_overlay_start_1:
0x0: {  	(tag) =	ssettag $0x1  }
0x1: {  	v0 =	vimm.s32 $0xEDCBA987  }
0x2: {  	v1 =	vimm.s32 $0x65432100;
	v0 =	vunpack.c.l.s4.s8 v0  }
0x3: {  	v1 =	vunpack.c.l.s4.s8 v1  }
0x4: {  	s0 =	rddreg [dreg:$0x0];
	v2 =	vimm.s32 $0xDCBA9876;
	v0 =	vunpack.c.0.s8.s32 v0  }
0x5: {  	s2 =	rddreg [dreg:$0x1];
	s3 =	srdreg.scid;
	v3 =	vimm.s32 $0x54321000;
	v2 =	vunpack.c.l.s4.s8 v2;
	v1 =	vunpack.c.0.s8.s32 v1  }
0x6: {  	s1 =	stileid.u32;
	s5 =	rddreg [dreg:$0x2];
	v4 =	vimm.s32 $0xE40000;
	s12 =	simm.s32 $0x80;
	v3 =	vunpack.c.l.s4.s8 v3;
	v0 =	vand.u32 $0xF, v0  }
0x7: {  	s13 =	simm.s32 $0x4080;
	s14 =	simm.s32 $0x1;
	s15 =	simm.s32 $0x8080;
	v2 =	vunpack.c.0.s8.s32 v2;
	v0 =	vcombine.low v1, v0;
	v1 =	vunpack.c.l.s2.s4 v4  }
0x8: {  	v5 =	vimm.s32 $0x32100000;
	s16 =	simm.s32 $0x2;
	s17 =	simm.s32 $0x4;
	s18 =	simm.s32 $0xC080;
	v3 =	vunpack.c.0.s8.s32 v3;
	v4 =	vimm.s32 $0xBA987654  }
0x9: {  	s19 =	simm.s32 $0x3;
	s6 =	sand.u32 $0x1, s3;
	s4 =	sshll.u32 s1, $0x1;
	v2 =	vand.u32 $0xF, v2;
	v4 =	vunpack.c.l.s4.s8 v4;
	v6 =	vunpack.c.l.s4.s8 v1  }
0xa: {  	vm0 =	vmmov $0x3;
	s20 =	simm.s32 $0x0;
	s3 =	rddreg [dreg:$0x3];
	s8 =	sor.u32 s6, s4;
	v2 =	vcombine.low v3, v2;
	v3 =	vunpack.c.l.s4.s8 v5  }
0xb: {  	s5 =	sadd.s32 $0x600, s5;
	s4 =	simm.s32 $0x0;
	s9 =	smul.u32 $0xE0, s8;
	v5 =	vimm.s32 $0x7060504;
	v4 =	vunpack.c.0.s8.s32 v4;
	v6 =	vunpack.c.0.s8.s32 v6  }
0xc: {  	vm2 =	vcmask $0x3F30;
	s6 =	ssub.s32 $0x2, s6;
	[smem:$0x7FF] =	sst s4;
	s10 =	smul.u32 $0xE000, s8;
	v5 =	vunpack.c.0.s8.s32 v5;
	v3 =	vunpack.c.0.s8.s32 v3  }
0xd: {  	vm1 =	vmmov $0xf;
	s7 =	sshrl.u32 s6, $0x1;
	s8 =	smul.u32 $0x70000, s8;
	_ =	strace $0x80000047;
	v4 =	vand.u32 $0xF, v4;
	v6 =	vand.u32 $0x3, v6  }
0xe: {  	s11 =	ssub.s32 s6, s7;
	s6 =	sadd.s32 s0, s10;
	s7 =	sor.u32 $0x8, s9;
	v1 =	vlaneseq.u32;
	v3 =	vcombine.low v3, v4;
	v4 =	vsel vm2, v5, v6  }
0xf: {  	s9 =	sor.u32 $0x10, s9;
	s10 =	smax.u32 s11, $0x1;
	s11 =	simm.s32 $0x5;
	vm2 =	vmmov $0xff;
	v5 =	vimm.s32 $0x7;
	v6 =	vimm.s32 $0x0  }
.LBB2_1:
0x10: {  	[tilespmem:s4], [sflag:$0x5] =	stream.linear.gather [hbm4b:s2+s4], $0x80, $0x38;
	[tilespmem:$0x10080] =	vst v63  }
0x11: {  	_ =	swait.ge [sflag:s11], $0x80  }
0x12: {  	[sflag:s11] =	ssyncset.done $0x0  }
0x13: {  	[sflag:s11] =	ssyncadd.s32 $0xFFFFFF80  }
0x14: {  	v7 =	vld [tilespmem:$0x0];
	_ =	sdelay $0x4  }
0x15: {  	v8 =	vperm.xlane v7, v0  }
0x16: {  	vm3 =	veq.s32 v1, $0x0  }
0x17: {  	v8 =	vsel vm3, $0x0, v8  }
0x18: {  	v8 =	vadd.f32 v8, v7;
	_ =	sdelay $0x1  }
0x19: {  	v9 =	vperm.xlane v8, v2;
	_ =	sdelay $0x1  }
0x1a: {  	v9 =	vsel vm0, $0x0, v9  }
0x1b: {  	v8 =	vadd.f32 v9, v8;
	_ =	sdelay $0x1  }
0x1c: {  	v9 =	vperm.xlane v8, v3;
	_ =	sdelay $0x1  }
0x1d: {  	v9 =	vsel vm1, $0x0, v9  }
0x1e: {  	v8 =	vadd.f32 v9, v8;
	_ =	sdelay $0x1  }
0x1f: {  	v9 =	vperm.xlane v8, v4;
	_ =	sdelay $0x1  }
0x20: {  	v9 =	vsel vm2, $0x0, v9  }
0x21: {  	v7 =	vmul.f32 $-5.000000000e-01, v7;
	v8 =	vadd.f32 v9, v8;
	_ =	sdelay $0x1  }
0x22: {  	v9 =	vperm.xlane v8, v0;
	v7 =	vadd.f32 v7, v8  }
0x23: {  	s21 =	simm.s32 $0x0  }
0x24: {  	[tilespmem:s12], [sflag:$0x1] =	stream.linear.gather [hbm4b:s6+s4], $0x4000, $0x38;
	v8 =	vsel vm3, $0x0, v9;
	v9 =	vperm.xlane v7, v5;
	[tilespmem:$0x10080] =	vst v63  }
.LBB2_2:
0x25: {  	s23 =	sshll.u32 s21, $0x4  }
0x26: {  	s22 =	sadd.s32 s23, s7  }
0x27: {  	s22 =	sshll.u32 s22, $0x8  }
0x28: {  	s24 =	sadd.s32 s0, s22  }
0x29: {  	[tilespmem:s13], [sflag:$0x2] =	stream.linear.gather [hbm4b:s24+s4], $0x4000, $0x38;
	[tilespmem:$0x10080] =	vst v63  }
0x2a: {  	_ =	swait.ge [sflag:s14], $0x4000  }
0x2b: {  	p0 =	seq.s32 s21, $0x0;
	[sflag:s14] =	ssyncset.done $0x0  }
0x2c: {  	s24 =	simm.s32 @!p0 $0x3;
	[sflag:s14] =	ssyncadd.s32 $0xFFFFC000  }
0x2d: {  	_ =	swait.ge @!p0 [sflag:s24], $0x4000  }
0x2e: {  	[sflag:s24] =	ssyncset.done @!p0 $0x0  }
0x2f: {  	[sflag:s24] =	ssyncadd.s32 @!p0 $0xFFFFC000;
	s24 =	simm.s32 $0x0  }
0x30: {  	v14 =	vld [tilespmem:s24+$0xF0]  }
0x31: {  	v15 =	vld [tilespmem:s24+$0xE0]  }
0x32: {  	v10 =	vld [tilespmem:s24+$0xA0]  }
0x33: {  	v18 =	vld [tilespmem:s24+$0x80]  }
0x34: {  	v19 =	vld [tilespmem:s24+$0x90];
	_ =	sdelay $0x1  }
0x35: {  	v11 =	vld [tilespmem:s24+$0xB0]  }
0x36: {  	vm3 =	vlt.f32 v9, v10;
	vm4 =	vlt.f32 v9, v15;
	vm5 =	vlt.f32 v9, v14  }
0x37: {  	vm6 =	vlt.f32 v9, v18;
	v12 =	vsel vm4, $0x8, v6;
	v13 =	vsel vm5, $0x8, v6  }
0x38: {  	v16 =	vsel vm3, $0x8, v6;
	vm3 =	vlt.f32 v9, v19;
	v23 =	vsel vm6, $0x8, v6  }
0x39: {  	v17 =	vor.u32 $0x3, v12;
	v20 =	vor.u32 $0x3, v13;
	v21 =	vor.u32 $0x3, v16  }
0x3a: {  	v22 =	vsel vm3, $0x8, v6;
	vm3 =	vlt.f32 v9, v11;
	v20 =	vperm.xlane v7, v20  }
0x3b: {  	v24 =	vor.u32 $0x3, v23;
	v21 =	vperm.xlane v7, v21;
	v17 =	vperm.xlane v7, v17  }
0x3c: {  	v26 =	vor.u32 $0x3, v22;
	v24 =	vperm.xlane v7, v24;
	vm10 =	vlt.f32 v20, v14  }
0x3d: {  	v20 =	vsel vm3, $0x8, v6;
	vm3 =	vlt.f32 v17, v15;
	v17 =	vsel vm10, $0x4, v6  }
0x3e: {  	v26 =	vperm.xlane v7, v26;
	v25 =	vsel vm3, $0x4, v6;
	v17 =	vor.u32 v13, v17  }
0x3f: {  	vm3 =	vlt.f32 v21, v10;
	v25 =	vor.u32 v12, v25;
	v12 =	vor.u32 $0x1, v17  }
0x40: {  	v13 =	vor.u32 $0x3, v20;
	v27 =	vor.u32 $0x1, v25;
	v28 =	vperm.xlane v7, v12  }
0x41: {  	vm11 =	vlt.f32 v26, v19;
	v29 =	vperm.xlane v7, v13;
	v13 =	vld [tilespmem:s24+$0xD0];
	v21 =	vperm.xlane v7, v27  }
0x42: {  	v47 =	vsel vm3, $0x4, v6;
	v26 =	vsel vm11, $0x4, v6;
	v12 =	vld [tilespmem:s24+$0xC0];
	vm3 =	vlt.f32 v28, v14  }
0x43: {  	v50 =	vor.u32 v16, v47;
	vm12 =	vlt.f32 v21, v15;
	v21 =	vsel vm3, $0x2, v6  }
0x44: {  	vm13 =	vlt.f32 v29, v11;
	v48 =	vsel vm12, $0x2, v6;
	v17 =	vor.u32 v21, v17  }
0x45: {  	v21 =	vor.u32 v22, v26;
	v22 =	vor.u32 v48, v25;
	v49 =	vperm.xlane v7, v17  }
0x46: {  	v29 =	vsel vm13, $0x4, v6;
	vm9 =	vlt.f32 v9, v13;
	v16 =	vperm.xlane v7, v22  }
0x47: {  	vm3 =	vlt.f32 v9, v12;
	v55 =	vor.u32 $0x1, v21;
	vm14 =	vlt.f32 v49, v14  }
0x48: {  	v56 =	vperm.xlane v7, v55;
	vm15 =	vlt.f32 v16, v15;
	v15 =	vsel vm14, $0x1, v6  }
0x49: {  	v14 =	vor.u32 $0x1, v50;
	v16 =	vsel vm15, $0x1, v6;
	v15 =	vor.u32 v15, v17  }
0x4a: {  	v17 =	vsel vm9, $0x8, v6;
	v16 =	vor.u32 v16, v22;
	v22 =	vsel vm3, $0x8, v6  }
0x4b: {  	vm3 =	vlt.f32 v24, v18;
	v51 =	vor.u32 $0x3, v17;
	v52 =	vperm.xlane v8, v16  }
0x4c: {  	v16 =	vor.u32 $0x3, v22;
	v54 =	vsel vm3, $0x4, v6;
	v53 =	vperm.xlane v7, v51  }
0x4d: {  	v14 =	vperm.xlane v7, v14;
	v23 =	vor.u32 v23, v54;
	v16 =	vperm.xlane v7, v16  }
0x4e: {  	v15 =	vperm.xlane v8, v15;
	v57 =	vor.u32 $0x1, v23;
	vm3 =	vlt.f32 v53, v13  }
0x4f: {  	v58 =	vperm.xlane v7, v57;
	vm10 =	vlt.f32 v16, v12;
	v16 =	vsel vm3, $0x4, v6  }
0x50: {  	vm3 =	vlt.f32 v56, v19;
	v59 =	vsel vm10, $0x4, v6;
	v60 =	vor.u32 v17, v16  }
0x51: {  	vm11 =	vlt.f32 v58, v18;
	v22 =	vor.u32 v22, v59;
	v16 =	vor.u32 $0x1, v60  }
0x52: {  	v61 =	vsel vm3, $0x2, v6;
	v17 =	vsel vm11, $0x2, v6;
	v62 =	vperm.xlane v7, v16  }
0x53: {  	v23 =	vor.u32 v17, v23;
	v17 =	vor.u32 v20, v29;
	v20 =	vor.u32 $0x1, v22  }
0x54: {  	v16 =	vor.u32 v61, v21;
	v63 =	vperm.xlane v7, v23;
	v20 =	vperm.xlane v7, v20  }
0x55: {  	vm3 =	vlt.f32 v14, v10;
	v21 =	vperm.xlane v7, v16;
	v14 =	vor.u32 $0x1, v17  }
0x56: {  	vm12 =	vlt.f32 v62, v13;
	vm13 =	vlt.f32 v63, v18;
	vm14 =	vlt.f32 v20, v12  }
0x57: {  	vm15 =	vlt.f32 v21, v19;
	v19 =	vsel vm12, $0x2, v6;
	v18 =	vsel vm13, $0x1, v6  }
0x58: {  	v20 =	vperm.xlane v7, v14;
	v14 =	vsel vm14, $0x2, v6;
	v18 =	vor.u32 v18, v23  }
0x59: {  	[tilespmem:s24+$0x80F0] =	vst v15;
	v15 =	vor.u32 v14, v22;
	v14 =	vor.u32 v19, v60;
	v18 =	vperm.xlane v8, v18  }
0x5a: {  	[tilespmem:s24+$0x80E0] =	vst v52;
	v21 =	vsel vm3, $0x2, v6;
	vm3 =	vlt.f32 v20, v11;
	v20 =	vperm.xlane v7, v14  }
0x5b: {  	s25 =	simm.s32 $0x200;
	v19 =	vsel vm15, $0x1, v6;
	[tilespmem:s24+$0x8080] =	vst v18;
	v18 =	vor.u32 v21, v50;
	v21 =	vsel vm3, $0x2, v6  }
.LBB2_3:
0x5c: {  	s26 =	sshra.s32 s25, $0x2;
	p1 =	sne.s32 s25, $0xFE00;
	s25 =	sadd.s32 $0x200, s25;
	v22 =	vperm.xlane v7, v18;
	v17 =	vor.u32 v21, v17;
	vm3 =	vlt.f32 v20, v13  }
0x5d: {  	v21 =	vperm.xlane v7, v15;
	v20 =	vld [tilespmem:s26+$0xF0];
	v13 =	vperm.xlane v7, v17;
	v23 =	vsel vm3, $0x1, v6  }
0x5e: {  	v16 =	vor.u32 v19, v16;
	v24 =	vld [tilespmem:s26+$0xE0];
	vm3 =	vlt.f32 v22, v10;
	v14 =	vor.u32 v23, v14  }
0x5f: {  	v16 =	vperm.xlane v8, v16;
	vm4 =	vlt.f32 v21, v12;
	v10 =	vld [tilespmem:s26+$0xA0];
	v19 =	vperm.xlane v8, v14  }
0x60: {  	v21 =	vsel vm3, $0x1, v6;
	vm3 =	vlt.f32 v13, v11;
	v11 =	vsel vm4, $0x1, v6;
	v14 =	vld [tilespmem:s26+$0x80]  }
0x61: {  	v13 =	vsel vm3, $0x1, v6;
	v11 =	vor.u32 v11, v15;
	v12 =	vld [tilespmem:s26+$0xC0];
	[tilespmem:s24+$0x8090] =	vst v16;
	v16 =	vor.u32 v21, v18  }
0x62: {  	v17 =	vor.u32 v13, v17;
	v18 =	vperm.xlane v8, v11;
	v15 =	vld [tilespmem:s26+$0x90];
	[tilespmem:s24+$0x80D0] =	vst v19  }
0x63: {  	v16 =	vperm.xlane v8, v16;
	v17 =	vperm.xlane v8, v17;
	v13 =	vld [tilespmem:s26+$0xD0]  }
0x64: {  	vm5 =	vlt.f32 v9, v20;
	vm4 =	vlt.f32 v9, v24;
	vm3 =	vlt.f32 v9, v10;
	v11 =	vld [tilespmem:s26+$0xB0];
	[tilespmem:s24+$0x80C0] =	vst v18  }
0x65: {  	v19 =	vsel vm5, $0x8, v6;
	v18 =	vsel vm4, $0x8, v6;
	vm6 =	vlt.f32 v9, v14;
	[tilespmem:s24+$0x80B0] =	vst v17  }
0x66: {  	v22 =	vor.u32 $0x3, v19;
	v17 =	vsel vm3, $0x8, v6;
	v21 =	vor.u32 $0x3, v18;
	[tilespmem:s24+$0x80A0] =	vst v16;
	s24 =	smov.u32 s26  }
0x67: {  	v22 =	vperm.xlane v7, v22;
	v16 =	vor.u32 $0x3, v17;
	vm3 =	vlt.f32 v9, v15  }
0x68: {  	v21 =	vperm.xlane v7, v21;
	v16 =	vperm.xlane v7, v16;
	v23 =	vsel vm3, $0x8, v6  }
0x69: {  	v25 =	vsel vm6, $0x8, v6;
	vm4 =	vlt.f32 v22, v20;
	vm3 =	vlt.f32 v9, v11  }
0x6a: {  	v22 =	vsel vm3, $0x8, v6;
	vm3 =	vlt.f32 v21, v24;
	v21 =	vsel vm4, $0x4, v6  }
0x6b: {  	v26 =	vor.u32 $0x3, v25;
	v27 =	vsel vm3, $0x4, v6;
	v19 =	vor.u32 v19, v21  }
0x6c: {  	v21 =	vor.u32 $0x3, v22;
	v18 =	vor.u32 v18, v27;
	v27 =	vor.u32 $0x1, v19  }
0x6d: {  	v28 =	vor.u32 $0x3, v23;
	v29 =	vor.u32 $0x1, v18;
	v27 =	vperm.xlane v7, v27  }
0x6e: {  	v28 =	vperm.xlane v7, v28;
	vm3 =	vlt.f32 v16, v10;
	v16 =	vperm.xlane v7, v29  }
0x6f: {  	v21 =	vperm.xlane v7, v21;
	v29 =	vsel vm3, $0x4, v6;
	vm3 =	vlt.f32 v27, v20  }
0x70: {  	vm4 =	vlt.f32 v28, v15;
	vm5 =	vlt.f32 v16, v24;
	v16 =	vsel vm3, $0x2, v6  }
0x71: {  	v27 =	vsel vm4, $0x4, v6;
	v28 =	vsel vm5, $0x2, v6;
	v16 =	vor.u32 v16, v19  }
0x72: {  	v19 =	vor.u32 v23, v27;
	v18 =	vor.u32 v28, v18;
	v23 =	vperm.xlane v7, v16  }
0x73: {  	vm3 =	vlt.f32 v9, v12;
	v27 =	vor.u32 v17, v29;
	v17 =	vperm.xlane v7, v18  }
0x74: {  	v26 =	vperm.xlane v7, v26;
	vm4 =	vlt.f32 v21, v11;
	vm5 =	vlt.f32 v23, v20  }
0x75: {  	v20 =	vor.u32 $0x1, v27;
	vm6 =	vlt.f32 v17, v24;
	v17 =	vsel vm5, $0x1, v6  }
0x76: {  	vm5 =	vlt.f32 v9, v13;
	v21 =	vsel vm6, $0x1, v6;
	v16 =	vor.u32 v17, v16  }
0x77: {  	v17 =	vsel vm5, $0x8, v6;
	v18 =	vor.u32 v21, v18;
	v16 =	vperm.xlane v8, v16  }
0x78: {  	v21 =	vsel vm3, $0x8, v6;
	v23 =	vor.u32 $0x3, v17;
	v18 =	vperm.xlane v8, v18  }
0x79: {  	vm3 =	vlt.f32 v26, v14;
	v24 =	vor.u32 $0x3, v21;
	v23 =	vperm.xlane v7, v23;
	[tilespmem:s24+$0x80F0] =	vst v16  }
0x7a: {  	v28 =	vsel vm4, $0x4, v6;
	v26 =	vor.u32 $0x1, v19;
	v16 =	vsel vm3, $0x4, v6;
	[tilespmem:s24+$0x80E0] =	vst v18  }
0x7b: {  	v24 =	vperm.xlane v7, v24;
	v16 =	vor.u32 v25, v16;
	v18 =	vperm.xlane v7, v26  }
0x7c: {  	v20 =	vperm.xlane v7, v20;
	vm3 =	vlt.f32 v23, v13;
	v25 =	vor.u32 $0x1, v16  }
0x7d: {  	vm4 =	vlt.f32 v24, v12;
	v24 =	vsel vm3, $0x4, v6;
	v23 =	vperm.xlane v7, v25  }
0x7e: {  	vm3 =	vlt.f32 v18, v15;
	v18 =	vsel vm4, $0x4, v6;
	v24 =	vor.u32 v17, v24  }
0x7f: {  	v18 =	vor.u32 v21, v18;
	v17 =	vor.u32 $0x1, v24;
	vm4 =	vlt.f32 v23, v14  }
0x80: {  	v23 =	vsel vm3, $0x2, v6;
	v25 =	vperm.xlane v7, v17;
	v21 =	vsel vm4, $0x2, v6  }
0x81: {  	v17 =	vor.u32 v22, v28;
	v22 =	vor.u32 $0x1, v18;
	v21 =	vor.u32 v21, v16  }
0x82: {  	v16 =	vor.u32 v23, v19;
	v19 =	vperm.xlane v7, v22;
	v26 =	vperm.xlane v7, v21  }
0x83: {  	vm3 =	vlt.f32 v20, v10;
	vm4 =	vlt.f32 v25, v13;
	v22 =	vperm.xlane v7, v16  }
0x84: {  	vm6 =	vlt.f32 v19, v12;
	vm5 =	vlt.f32 v26, v14;
	v14 =	vor.u32 $0x1, v17  }
.Ltmp0:
0x85: {  	v20 =	vsel vm4, $0x2, v6;
	v19 =	vsel vm5, $0x1, v6;
	vm5 =	vlt.f32 v22, v15;
	(pc) =	sbr.rel @p1 .LBB2_3-.Ltmp0, $4  }
0x86: {  	v15 =	vor.u32 v19, v21;
	v19 =	vperm.xlane v7, v14;
	v14 =	vsel vm6, $0x2, v6  }
0x87: {  	v21 =	vperm.xlane v8, v15;
	v15 =	vor.u32 v14, v18;
	v14 =	vor.u32 v20, v24  }
0x88: {  	v18 =	vsel vm3, $0x2, v6;
	vm3 =	vlt.f32 v19, v11;
	v20 =	vperm.xlane v7, v14  }
0x89: {  	v19 =	vsel vm5, $0x1, v6;
	v18 =	vor.u32 v18, v27;
	[tilespmem:s24+$0x8080] =	vst v21;
	v21 =	vsel vm3, $0x2, v6  }
0x8a: {  	v22 =	vperm.xlane v7, v18  }
0x8b: {  	v17 =	vor.u32 v21, v17;
	vm3 =	vlt.f32 v20, v13;
	v57 =	vperm.xlane v7, v15  }
0x8c: {  	v16 =	vor.u32 v19, v16;
	v58 =	vperm.xlane v7, v17;
	v59 =	vsel vm3, $0x1, v6  }
0x8d: {  	v60 =	vperm.xlane v8, v16;
	vm3 =	vlt.f32 v22, v10;
	vm4 =	vlt.f32 v57, v12  }
0x8e: {  	v10 =	vor.u32 v59, v14;
	v13 =	vsel vm4, $0x1, v6;
	vm15 =	vlt.f32 v58, v11  }
0x8f: {  	v10 =	vperm.xlane v8, v10;
	v11 =	vsel vm15, $0x1, v6;
	v13 =	vor.u32 v13, v15  }
0x90: {  	p1 =	sne.s32 s21, $0xD;
	v61 =	vsel vm3, $0x1, v6;
	[tilespmem:s24+$0x8090] =	vst v60;
	v11 =	vor.u32 v11, v17;
	v62 =	vperm.xlane v8, v13  }
.Ltmp1:
0x91: {  	s25 =	sshll.u32 s21, $0xF;
	v63 =	vor.u32 v61, v18;
	[tilespmem:s24+$0x80D0] =	vst v10;
	v10 =	vperm.xlane v8, v11;
	(pc) =	sbr.rel @p1 .LBB2_6-.Ltmp1, $4  }
0x92: {  	s25 =	sadd.s32 s8, s25;
	v11 =	vperm.xlane v8, v63;
	[tilespmem:s24+$0x80C0] =	vst v62  }
0x93: {  	s25 =	sshrl.u32 s25, $0x3;
	[tilespmem:s24+$0x80B0] =	vst v10  }
0x94: {  	s31 =	sadd.s32 s5, s25;
	[tilespmem:s24+$0x80A0] =	vst v11  }
0x95: {  	[hbm4b:s31+s4] =	stream.linear.scatter [tilespmem:s15], [sflag:$0x3], $0x4000, $0x38;
	[tilespmem:$0x10080] =	vst v63  }
.Ltmp2:
0x96: {  	(pc) =	sbr.rel .LBB2_7-.Ltmp2, $4  }
0x97: {  	_ = 	snop  }
0x98: {  	_ =	swait.ge [sflag:s16], $0x4000  }
0x99: {  	[sflag:s16] =	ssyncset.done $0x0  }
0x9a: {  	[sflag:s16] =	ssyncadd.s32 $0xFFFFC000  }
.LBB2_6:
0x9b: {  	s23 =	sadd.s32 s23, s9  }
0x9c: {  	s23 =	sshll.u32 s23, $0x8  }
.Ltmp3:
0x9d: {  	s23 =	sadd.s32 s0, s23;
	(pc) =	sbr.rel @p0 .LBB2_8-.Ltmp3, $4  }
0x9e: {  	[tilespmem:s12], [sflag:$0x1] =	stream.linear.gather [hbm4b:s23+s4], $0x4000, $0x38;
	[tilespmem:$0x10080] =	vst v63  }
0x9f: {  	_ =	swait.ge [sflag:s16], $0x4000  }
0xa0: {  	[sflag:s16] =	ssyncset.done $0x0  }
0xa1: {  	[sflag:s16] =	ssyncadd.s32 $0xFFFFC000  }
.LBB2_7:
0xa2: {  	_ =	swait.ge [sflag:s17], $0x4000  }
0xa3: {  	[sflag:s17] =	ssyncset.done $0x0  }
0xa4: {  	[sflag:s17] =	ssyncadd.s32 $0xFFFFC000  }
.LBB2_8:
0xa5: {  	s23 =	simm.s32 $0x0  }
0xa6: {  	v14 =	vld [tilespmem:s23+$0x40F0]  }
0xa7: {  	v15 =	vld [tilespmem:s23+$0x40E0]  }
0xa8: {  	v10 =	vld [tilespmem:s23+$0x40A0]  }
0xa9: {  	v18 =	vld [tilespmem:s23+$0x4080]  }
0xaa: {  	v19 =	vld [tilespmem:s23+$0x4090];
	_ =	sdelay $0x1  }
0xab: {  	v11 =	vld [tilespmem:s23+$0x40B0]  }
0xac: {  	vm3 =	vlt.f32 v9, v10;
	vm4 =	vlt.f32 v9, v15;
	vm5 =	vlt.f32 v9, v14  }
0xad: {  	vm6 =	vlt.f32 v9, v18;
	v12 =	vsel vm4, $0x8, v6;
	v13 =	vsel vm5, $0x8, v6  }
0xae: {  	v16 =	vsel vm3, $0x8, v6;
	vm3 =	vlt.f32 v9, v19;
	v23 =	vsel vm6, $0x8, v6  }
0xaf: {  	v17 =	vor.u32 $0x3, v12;
	v20 =	vor.u32 $0x3, v13;
	v21 =	vor.u32 $0x3, v16  }
0xb0: {  	v22 =	vsel vm3, $0x8, v6;
	vm3 =	vlt.f32 v9, v11;
	v20 =	vperm.xlane v7, v20  }
0xb1: {  	v24 =	vor.u32 $0x3, v23;
	v21 =	vperm.xlane v7, v21;
	v17 =	vperm.xlane v7, v17  }
0xb2: {  	v26 =	vor.u32 $0x3, v22;
	v24 =	vperm.xlane v7, v24;
	vm10 =	vlt.f32 v20, v14  }
0xb3: {  	v20 =	vsel vm3, $0x8, v6;
	vm3 =	vlt.f32 v17, v15;
	v17 =	vsel vm10, $0x4, v6  }
0xb4: {  	v26 =	vperm.xlane v7, v26;
	v25 =	vsel vm3, $0x4, v6;
	v17 =	vor.u32 v13, v17  }
0xb5: {  	vm3 =	vlt.f32 v21, v10;
	v25 =	vor.u32 v12, v25;
	v12 =	vor.u32 $0x1, v17  }
0xb6: {  	v13 =	vor.u32 $0x3, v20;
	v27 =	vor.u32 $0x1, v25;
	v28 =	vperm.xlane v7, v12  }
0xb7: {  	vm11 =	vlt.f32 v26, v19;
	v29 =	vperm.xlane v7, v13;
	v13 =	vld [tilespmem:s23+$0x40D0];
	v21 =	vperm.xlane v7, v27  }
0xb8: {  	v47 =	vsel vm3, $0x4, v6;
	v26 =	vsel vm11, $0x4, v6;
	v12 =	vld [tilespmem:s23+$0x40C0];
	vm3 =	vlt.f32 v28, v14  }
0xb9: {  	v50 =	vor.u32 v16, v47;
	vm12 =	vlt.f32 v21, v15;
	v21 =	vsel vm3, $0x2, v6  }
0xba: {  	vm13 =	vlt.f32 v29, v11;
	v48 =	vsel vm12, $0x2, v6;
	v17 =	vor.u32 v21, v17  }
0xbb: {  	v21 =	vor.u32 v22, v26;
	v22 =	vor.u32 v48, v25;
	v49 =	vperm.xlane v7, v17  }
0xbc: {  	v29 =	vsel vm13, $0x4, v6;
	vm9 =	vlt.f32 v9, v13;
	v16 =	vperm.xlane v7, v22  }
0xbd: {  	vm3 =	vlt.f32 v9, v12;
	v55 =	vor.u32 $0x1, v21;
	vm14 =	vlt.f32 v49, v14  }
0xbe: {  	v56 =	vperm.xlane v7, v55;
	vm15 =	vlt.f32 v16, v15;
	v15 =	vsel vm14, $0x1, v6  }
0xbf: {  	v14 =	vor.u32 $0x1, v50;
	v16 =	vsel vm15, $0x1, v6;
	v15 =	vor.u32 v15, v17  }
0xc0: {  	v17 =	vsel vm9, $0x8, v6;
	v16 =	vor.u32 v16, v22;
	v22 =	vsel vm3, $0x8, v6  }
0xc1: {  	vm3 =	vlt.f32 v24, v18;
	v51 =	vor.u32 $0x3, v17;
	v52 =	vperm.xlane v8, v16  }
0xc2: {  	v16 =	vor.u32 $0x3, v22;
	v54 =	vsel vm3, $0x4, v6;
	v53 =	vperm.xlane v7, v51  }
0xc3: {  	v14 =	vperm.xlane v7, v14;
	v23 =	vor.u32 v23, v54;
	v16 =	vperm.xlane v7, v16  }
0xc4: {  	v15 =	vperm.xlane v8, v15;
	v57 =	vor.u32 $0x1, v23;
	vm3 =	vlt.f32 v53, v13  }
0xc5: {  	v58 =	vperm.xlane v7, v57;
	vm10 =	vlt.f32 v16, v12;
	v16 =	vsel vm3, $0x4, v6  }
0xc6: {  	vm3 =	vlt.f32 v56, v19;
	v59 =	vsel vm10, $0x4, v6;
	v60 =	vor.u32 v17, v16  }
0xc7: {  	vm11 =	vlt.f32 v58, v18;
	v22 =	vor.u32 v22, v59;
	v16 =	vor.u32 $0x1, v60  }
0xc8: {  	v61 =	vsel vm3, $0x2, v6;
	v17 =	vsel vm11, $0x2, v6;
	v62 =	vperm.xlane v7, v16  }
0xc9: {  	v23 =	vor.u32 v17, v23;
	v17 =	vor.u32 v20, v29;
	v20 =	vor.u32 $0x1, v22  }
0xca: {  	v16 =	vor.u32 v61, v21;
	v63 =	vperm.xlane v7, v23;
	v20 =	vperm.xlane v7, v20  }
0xcb: {  	vm3 =	vlt.f32 v14, v10;
	v21 =	vperm.xlane v7, v16;
	v14 =	vor.u32 $0x1, v17  }
0xcc: {  	vm12 =	vlt.f32 v62, v13;
	vm13 =	vlt.f32 v63, v18;
	vm14 =	vlt.f32 v20, v12  }
0xcd: {  	vm15 =	vlt.f32 v21, v19;
	v19 =	vsel vm12, $0x2, v6;
	v18 =	vsel vm13, $0x1, v6  }
0xce: {  	v20 =	vperm.xlane v7, v14;
	v14 =	vsel vm14, $0x2, v6;
	v18 =	vor.u32 v18, v23  }
0xcf: {  	[tilespmem:s23+$0xC0F0] =	vst v15;
	v15 =	vor.u32 v14, v22;
	v14 =	vor.u32 v19, v60;
	v18 =	vperm.xlane v8, v18  }
0xd0: {  	[tilespmem:s23+$0xC0E0] =	vst v52;
	v21 =	vsel vm3, $0x2, v6;
	vm3 =	vlt.f32 v20, v11;
	v20 =	vperm.xlane v7, v14  }
0xd1: {  	s21 =	sadd.s32 $0x1, s21;
	s24 =	simm.s32 $0x200;
	v19 =	vsel vm15, $0x1, v6;
	[tilespmem:s23+$0xC080] =	vst v18;
	v18 =	vor.u32 v21, v50;
	v21 =	vsel vm3, $0x2, v6  }
.LBB2_9:
0xd2: {  	s25 =	sshra.s32 s24, $0x2;
	p0 =	sne.s32 s24, $0xFE00;
	s24 =	sadd.s32 $0x200, s24;
	v22 =	vperm.xlane v7, v18;
	v17 =	vor.u32 v21, v17;
	vm3 =	vlt.f32 v20, v13  }
0xd3: {  	v21 =	vperm.xlane v7, v15;
	v20 =	vld [tilespmem:s25+$0x40F0];
	v13 =	vperm.xlane v7, v17;
	v23 =	vsel vm3, $0x1, v6  }
0xd4: {  	v16 =	vor.u32 v19, v16;
	v24 =	vld [tilespmem:s25+$0x40E0];
	vm3 =	vlt.f32 v22, v10;
	v14 =	vor.u32 v23, v14  }
0xd5: {  	v16 =	vperm.xlane v8, v16;
	vm4 =	vlt.f32 v21, v12;
	v10 =	vld [tilespmem:s25+$0x40A0];
	v19 =	vperm.xlane v8, v14  }
0xd6: {  	v21 =	vsel vm3, $0x1, v6;
	vm3 =	vlt.f32 v13, v11;
	v11 =	vsel vm4, $0x1, v6;
	v14 =	vld [tilespmem:s25+$0x4080]  }
0xd7: {  	v13 =	vsel vm3, $0x1, v6;
	v11 =	vor.u32 v11, v15;
	v12 =	vld [tilespmem:s25+$0x40C0];
	[tilespmem:s23+$0xC090] =	vst v16;
	v16 =	vor.u32 v21, v18  }
0xd8: {  	v17 =	vor.u32 v13, v17;
	v18 =	vperm.xlane v8, v11;
	v15 =	vld [tilespmem:s25+$0x4090];
	[tilespmem:s23+$0xC0D0] =	vst v19  }
0xd9: {  	v16 =	vperm.xlane v8, v16;
	v17 =	vperm.xlane v8, v17;
	v13 =	vld [tilespmem:s25+$0x40D0]  }
0xda: {  	vm5 =	vlt.f32 v9, v20;
	vm4 =	vlt.f32 v9, v24;
	vm3 =	vlt.f32 v9, v10;
	v11 =	vld [tilespmem:s25+$0x40B0];
	[tilespmem:s23+$0xC0C0] =	vst v18  }
0xdb: {  	v19 =	vsel vm5, $0x8, v6;
	v18 =	vsel vm4, $0x8, v6;
	vm6 =	vlt.f32 v9, v14;
	[tilespmem:s23+$0xC0B0] =	vst v17  }
0xdc: {  	v22 =	vor.u32 $0x3, v19;
	v17 =	vsel vm3, $0x8, v6;
	v21 =	vor.u32 $0x3, v18;
	[tilespmem:s23+$0xC0A0] =	vst v16;
	s23 =	smov.u32 s25  }
0xdd: {  	v22 =	vperm.xlane v7, v22;
	v16 =	vor.u32 $0x3, v17;
	vm3 =	vlt.f32 v9, v15  }
0xde: {  	v21 =	vperm.xlane v7, v21;
	v16 =	vperm.xlane v7, v16;
	v23 =	vsel vm3, $0x8, v6  }
0xdf: {  	v25 =	vsel vm6, $0x8, v6;
	vm4 =	vlt.f32 v22, v20;
	vm3 =	vlt.f32 v9, v11  }
0xe0: {  	v22 =	vsel vm3, $0x8, v6;
	vm3 =	vlt.f32 v21, v24;
	v21 =	vsel vm4, $0x4, v6  }
0xe1: {  	v26 =	vor.u32 $0x3, v25;
	v27 =	vsel vm3, $0x4, v6;
	v19 =	vor.u32 v19, v21  }
0xe2: {  	v21 =	vor.u32 $0x3, v22;
	v18 =	vor.u32 v18, v27;
	v27 =	vor.u32 $0x1, v19  }
0xe3: {  	v28 =	vor.u32 $0x3, v23;
	v29 =	vor.u32 $0x1, v18;
	v27 =	vperm.xlane v7, v27  }
0xe4: {  	v28 =	vperm.xlane v7, v28;
	vm3 =	vlt.f32 v16, v10;
	v16 =	vperm.xlane v7, v29  }
0xe5: {  	v21 =	vperm.xlane v7, v21;
	v29 =	vsel vm3, $0x4, v6;
	vm3 =	vlt.f32 v27, v20  }
0xe6: {  	vm4 =	vlt.f32 v28, v15;
	vm5 =	vlt.f32 v16, v24;
	v16 =	vsel vm3, $0x2, v6  }
0xe7: {  	v27 =	vsel vm4, $0x4, v6;
	v28 =	vsel vm5, $0x2, v6;
	v16 =	vor.u32 v16, v19  }
0xe8: {  	v19 =	vor.u32 v23, v27;
	v18 =	vor.u32 v28, v18;
	v23 =	vperm.xlane v7, v16  }
0xe9: {  	vm3 =	vlt.f32 v9, v12;
	v27 =	vor.u32 v17, v29;
	v17 =	vperm.xlane v7, v18  }
0xea: {  	v26 =	vperm.xlane v7, v26;
	vm4 =	vlt.f32 v21, v11;
	vm5 =	vlt.f32 v23, v20  }
0xeb: {  	v20 =	vor.u32 $0x1, v27;
	vm6 =	vlt.f32 v17, v24;
	v17 =	vsel vm5, $0x1, v6  }
0xec: {  	vm5 =	vlt.f32 v9, v13;
	v21 =	vsel vm6, $0x1, v6;
	v16 =	vor.u32 v17, v16  }
0xed: {  	v17 =	vsel vm5, $0x8, v6;
	v18 =	vor.u32 v21, v18;
	v16 =	vperm.xlane v8, v16  }
0xee: {  	v21 =	vsel vm3, $0x8, v6;
	v23 =	vor.u32 $0x3, v17;
	v18 =	vperm.xlane v8, v18  }
0xef: {  	vm3 =	vlt.f32 v26, v14;
	v24 =	vor.u32 $0x3, v21;
	v23 =	vperm.xlane v7, v23;
	[tilespmem:s23+$0xC0F0] =	vst v16  }
0xf0: {  	v28 =	vsel vm4, $0x4, v6;
	v26 =	vor.u32 $0x1, v19;
	v16 =	vsel vm3, $0x4, v6;
	[tilespmem:s23+$0xC0E0] =	vst v18  }
0xf1: {  	v24 =	vperm.xlane v7, v24;
	v16 =	vor.u32 v25, v16;
	v18 =	vperm.xlane v7, v26  }
0xf2: {  	v20 =	vperm.xlane v7, v20;
	vm3 =	vlt.f32 v23, v13;
	v25 =	vor.u32 $0x1, v16  }
0xf3: {  	vm4 =	vlt.f32 v24, v12;
	v24 =	vsel vm3, $0x4, v6;
	v23 =	vperm.xlane v7, v25  }
0xf4: {  	vm3 =	vlt.f32 v18, v15;
	v18 =	vsel vm4, $0x4, v6;
	v24 =	vor.u32 v17, v24  }
0xf5: {  	v18 =	vor.u32 v21, v18;
	v17 =	vor.u32 $0x1, v24;
	vm4 =	vlt.f32 v23, v14  }
0xf6: {  	v23 =	vsel vm3, $0x2, v6;
	v25 =	vperm.xlane v7, v17;
	v21 =	vsel vm4, $0x2, v6  }
0xf7: {  	v17 =	vor.u32 v22, v28;
	v22 =	vor.u32 $0x1, v18;
	v21 =	vor.u32 v21, v16  }
0xf8: {  	v16 =	vor.u32 v23, v19;
	v19 =	vperm.xlane v7, v22;
	v26 =	vperm.xlane v7, v21  }
0xf9: {  	vm3 =	vlt.f32 v20, v10;
	vm4 =	vlt.f32 v25, v13;
	v22 =	vperm.xlane v7, v16  }
0xfa: {  	vm6 =	vlt.f32 v19, v12;
	vm5 =	vlt.f32 v26, v14;
	v14 =	vor.u32 $0x1, v17  }
.Ltmp4:
0xfb: {  	v20 =	vsel vm4, $0x2, v6;
	v19 =	vsel vm5, $0x1, v6;
	vm5 =	vlt.f32 v22, v15;
	(pc) =	sbr.rel @p0 .LBB2_9-.Ltmp4, $4  }
0xfc: {  	v15 =	vor.u32 v19, v21;
	v19 =	vperm.xlane v7, v14;
	v14 =	vsel vm6, $0x2, v6  }
0xfd: {  	v21 =	vperm.xlane v8, v15;
	v15 =	vor.u32 v14, v18;
	v14 =	vor.u32 v20, v24  }
0xfe: {  	v18 =	vsel vm3, $0x2, v6;
	vm3 =	vlt.f32 v19, v11;
	v20 =	vperm.xlane v7, v14  }
0xff: {  	v19 =	vsel vm5, $0x1, v6;
	v18 =	vor.u32 v18, v27;
	[tilespmem:s23+$0xC080] =	vst v21;
	v21 =	vsel vm3, $0x2, v6  }
0x100: {  	v22 =	vperm.xlane v7, v18  }
0x101: {  	v17 =	vor.u32 v21, v17;
	vm3 =	vlt.f32 v20, v13;
	v57 =	vperm.xlane v7, v15  }
0x102: {  	v16 =	vor.u32 v19, v16;
	v58 =	vperm.xlane v7, v17;
	v59 =	vsel vm3, $0x1, v6  }
0x103: {  	v60 =	vperm.xlane v8, v16;
	vm3 =	vlt.f32 v22, v10;
	vm4 =	vlt.f32 v57, v12  }
0x104: {  	v10 =	vor.u32 v59, v14;
	v13 =	vsel vm4, $0x1, v6;
	vm15 =	vlt.f32 v58, v11  }
0x105: {  	v10 =	vperm.xlane v8, v10;
	v11 =	vsel vm15, $0x1, v6;
	v13 =	vor.u32 v13, v15  }
0x106: {  	p0 =	sne.s32 s21, $0xE;
	v61 =	vsel vm3, $0x1, v6;
	[tilespmem:s23+$0xC090] =	vst v60;
	v11 =	vor.u32 v11, v17;
	v62 =	vperm.xlane v8, v13  }
.Ltmp5:
0x107: {  	v63 =	vor.u32 v61, v18;
	[tilespmem:s23+$0xC0D0] =	vst v10;
	v10 =	vperm.xlane v8, v11;
	(pc) =	sbr.rel @p0 .LBB2_2-.Ltmp5, $4  }
0x108: {  	v11 =	vperm.xlane v8, v63;
	[tilespmem:s23+$0xC0C0] =	vst v62  }
0x109: {  	[tilespmem:s23+$0xC0B0] =	vst v10  }
0x10a: {  	s22 =	sadd.s32 s5, s22;
	[tilespmem:s23+$0xC0A0] =	vst v11  }
0x10b: {  	[hbm4b:s22+s4] =	stream.linear.scatter [tilespmem:s18], [sflag:$0x4], $0x4000, $0x38;
	[tilespmem:$0x10080] =	vst v63  }
0x10c: {  	s20 =	sadd.s32 $0x1, s20  }
0x10d: {  	_ =	swait.ge [sflag:s19], $0x4000;
	p0 =	sne.s32 s20, s10  }
.Ltmp6:
0x10e: {  	[sflag:s19] =	ssyncset.done $0x0;
	(pc) =	sbr.rel @p0 .LBB2_1-.Ltmp6, $4  }
0x10f: {  	[sflag:s19] =	ssyncadd.s32 $0xFFFFC000  }
0x110: {  	_ =	swait.ge [sflag:s17], $0x4000  }
0x111: {  	[sflag:s17] =	ssyncset.done $0x0  }
0x112: {  	[sflag:s17] =	ssyncadd.s32 $0xFFFFC000  }
0x113: {  	_ =	sfence.sel $0x180000  }
0x114: {  	[bflag:$0x0] =	sbarrier.arrive $0xFFFF  }
0x115: {  	p0 =	sne.s32 s1, $0x0;
	_ =	strace $0x90000047  }
0x116: {  	s0 =	sadd.s32 @!p0 $0x100000, s3;
	[bflag:$0x2] =	sbarrier.arrive $0xFFFF  }
0x117: {  	[sflag:s0] =	ssyncadd.tile.s32 @!p0 $0x1;
	_ =	shalt  }
.Lfunc_end2:
_tile_overlayer_lowered:
.L_overlay_start_2:
0x118: {  	(tag) =	ssettag $0x2  }
0x119: {  	s0 =	rddreg [dreg:$0x0];
	s2 =	stileid.u32  }
0x11a: {  	s1 =	rddreg [dreg:$0x1];
	p0 =	sne.s32 s2, $0x0  }
0x11b: {  	s3 =	rddreg [dreg:$0x2];
	[bflag:$0x3] =	sbarrier.arrive $0xFFFF;
	s2 =	simm.s32 @!p0 $0x1C05  }
0x11c: {  	[timem:s3], [sflag:s2] =	dma.local @!p0 [hbm:s0], s1  }
0x11d: {  	s0 =	simm.s32 @!p0 $0x5  }
0x11e: {  	_ =	swait.ge @!p0 [sflag:s0], s1  }
0x11f: {  	s1 =	ssub.s32 @!p0 $0x0, s1;
	[sflag:s0] =	ssyncset.done @!p0 $0x0  }
0x120: {  	[sflag:s0] =	ssyncadd.s32 @!p0 s1  }
0x121: {  	[bflag:$0x3] =	sbarrier.arrive $0xFFFF  }
0x122: {  	_ =	shalt  }

</sc_bundles>
